<compile_context>
chip_gen: v7x
topology: tpu7x:2x2x1
jax: 0.10.2.dev20260603
libtpu: 0.0.44.dev20260713+nightly
codegen_flags: <defaults>
</compile_context>

<pallas_src>
import functools

import jax
import jax.numpy as jnp
from jax import lax
from jax.experimental import pallas as pl
from jax.experimental.pallas import tpu as pltpu, tpu_sc as plsc

_NC = 2
_NS = 16
_NW = _NC * _NS
_L = 16
_CHUNK = 2048


@jax.jit
def _embed_lookup(x, table):
    B, = x.shape
    V, D = table.shape
    rows_per_w = D // _NW
    n_chunks = B // _CHUNK

    tableT = table.T
    mesh = plsc.VectorSubcoreMesh(core_axis_name="c", subcore_axis_name="s")

    @functools.partial(
        pl.kernel,
        mesh=mesh,
        compiler_params=pltpu.CompilerParams(needs_layout_passes=False),
        out_type=jax.ShapeDtypeStruct((D, B), jnp.float32),
        scratch_types=[
            pltpu.VMEM((V,), jnp.float32),
            pltpu.VMEM((_CHUNK,), jnp.int32),
            pltpu.VMEM((_CHUNK,), jnp.float32),
        ],
    )
    def k(x_hbm, tableT_hbm, outT_hbm, row_v, idx_v, val_v):
        wid = lax.axis_index("s") * _NC + lax.axis_index("c")

        for p in range(rows_per_w):
            i = wid + p * _NW
            pltpu.sync_copy(tableT_hbm.at[i], row_v)
            for c in range(n_chunks):
                pltpu.sync_copy(x_hbm.at[pl.ds(c * _CHUNK, _CHUNK)], idx_v)

                def gbody(g, _):
                    iv = idx_v[pl.ds(g * _L, _L)]
                    val_v[pl.ds(g * _L, _L)] = plsc.load_gather(row_v, [iv])
                    return 0

                lax.fori_loop(0, _CHUNK // _L, gbody, 0)
                pltpu.sync_copy(val_v, outT_hbm.at[i, pl.ds(c * _CHUNK, _CHUNK)])

    outT = k(x, tableT)
    return outT.T


def kernel(x, table):
    return _embed_lookup(x.astype(jnp.int32), table)

# --- scband reference (transcript-rebuilt; emitter-appended) ---
"""Pipeline reference for scband-encoder-26371099197536 (READ-ONLY COPY).

The authoritative reference and input builder live on the scoring server;
editing this copy changes nothing except your own understanding.
"""

import jax, jax.numpy as jnp
import numpy as np

NNODES = 100000
EMBED_DIM = 64
BATCH = 16384

def setup_inputs(seed: int = 0) -> dict:
    key = jax.random.key(seed)
    k1, k2 = jax.random.split(key)
    # batch of node indices; values in [0, NNODES) are in-range for the (NNODES+1)-row table
    x = jax.random.randint(k1, (BATCH,), 0, NNODES, dtype=jnp.int64 if jax.config.jax_enable_x64 else jnp.int32)
    # nn.Embedding(nnodes + 1, dimensions[-1]) weight table
    table = jax.random.normal(k2, (NNODES + 1, EMBED_DIM), dtype=jnp.float32)
    return {"x": x, "table": table}

def reference(x, table):
    # Encoder with name='none': forward(x) -> self.embedding(x), a pure embedding lookup.
    # x contains plain indices (not the -1 sentinel), so the path is hx = self.embedding(x).
    hx = jnp.take(table, x, axis=0)
    return hx

if __name__ == "__main__":
    import jax
    _d = setup_inputs()
    print(jax.jit(kernel)(*tuple(_d.values())))

</pallas_src>

<mosaic_0001>
#map = affine_map<(d0, d1) -> (0)>
#map1 = affine_map<(d0, d1) -> (0, 0)>
module attributes {stable_mosaic.version = 14 : i64} {
  func.func @k(%arg0: i32, %arg1: i32, %arg2: memref<16384xi32, #tpu.memory_space<hbm>>, %arg3: memref<64x100001xf32, #tpu.memory_space<hbm>>, %arg4: memref<64x16384xf32, #tpu.memory_space<hbm>>, %arg5: memref<100001xf32, #tpu.memory_space<vmem>>, %arg6: memref<2048xi32, #tpu.memory_space<vmem>>, %arg7: memref<2048xf32, #tpu.memory_space<vmem>>) attributes {dimension_semantics = [#tpu.dimension_semantics<core_parallel>, #tpu.dimension_semantics<subcore_parallel>], iteration_bounds = array<i64: 2, 16>, scalar_prefetch = 0 : i64, scratch_operands = 3 : i64, tpu.core_type = #tpu.core_type<sc_vector_subcore>, window_params = [{transform_indices = #map}, {transform_indices = #map1}, {transform_indices = #map1}]} {
    %mul3A = arith.constant 2 : i32
    %mul3A_0 = arith.muli %arg1, %mul3A : i32
    %add3A = arith.addi %mul3A_0, %arg0 : i32
    %add3A_1 = arith.constant 0 : i32
    %add3A_2 = arith.addi %add3A, %add3A_1 : i32
    "tpu.region"() ({
      %run_scoped3A = tpu.sem_alloc : memref<!tpu.dma_semaphore, #tpu.memory_space<semaphore_mem>>
      %dma_start3A = arith.constant 0 : i32
      %dma_start3A_116 = tpu.memref_slice %arg3[%add3A_2, %dma_start3A] : memref<64x100001xf32, #tpu.memory_space<hbm>> -> memref<1x100001xf32, #tpu.memory_space<hbm>>
      %dma_start3A_117 = tpu.memref_squeeze %dma_start3A_116 : memref<1x100001xf32, #tpu.memory_space<hbm>> -> memref<100001xf32, #tpu.memory_space<hbm>>
      %dma_start3A_118 = arith.constant 0 : i32
      %dma_start3A_119 = tpu.memref_slice %arg3[%add3A_2, %dma_start3A_118] : memref<64x100001xf32, #tpu.memory_space<hbm>> -> memref<1x100001xf32, #tpu.memory_space<hbm>>
      %dma_start3A_120 = tpu.memref_squeeze %dma_start3A_119 : memref<1x100001xf32, #tpu.memory_space<hbm>> -> memref<100001xf32, #tpu.memory_space<hbm>>
      tpu.enqueue_dma source(%dma_start3A_120 : memref<100001xf32, #tpu.memory_space<hbm>>) target(%arg5 : memref<100001xf32, #tpu.memory_space<vmem>>) target_semaphore(%run_scoped3A : memref<!tpu.dma_semaphore, #tpu.memory_space<semaphore_mem>>)
      %dma_wait3A = arith.constant 0 : i32
      %dma_wait3A_121 = tpu.memref_slice %arg3[%add3A_2, %dma_wait3A] : memref<64x100001xf32, #tpu.memory_space<hbm>> -> memref<1x100001xf32, #tpu.memory_space<hbm>>
      %dma_wait3A_122 = tpu.memref_squeeze %dma_wait3A_121 : memref<1x100001xf32, #tpu.memory_space<hbm>> -> memref<100001xf32, #tpu.memory_space<hbm>>
      %dma_wait3A_123 = arith.constant 0 : i32
      %dma_wait3A_124 = tpu.memref_slice %arg3[%add3A_2, %dma_wait3A_123] : memref<64x100001xf32, #tpu.memory_space<hbm>> -> memref<1x100001xf32, #tpu.memory_space<hbm>>
      %dma_wait3A_125 = tpu.memref_squeeze %dma_wait3A_124 : memref<1x100001xf32, #tpu.memory_space<hbm>> -> memref<100001xf32, #tpu.memory_space<hbm>>
      tpu.wait_dma2 semaphore(%run_scoped3A : memref<!tpu.dma_semaphore, #tpu.memory_space<semaphore_mem>>) src(%dma_wait3A_125 : memref<100001xf32, #tpu.memory_space<hbm>>) dst(%arg5 : memref<100001xf32, #tpu.memory_space<vmem>>)
      tpu.yield
    }) : () -> ()
    "tpu.region"() ({
      %run_scoped3A = tpu.sem_alloc : memref<!tpu.dma_semaphore, #tpu.memory_space<semaphore_mem>>
      %dma_start3A = arith.constant 0 : i32
      %dma_start3A_116 = tpu.memref_slice %arg2[%dma_start3A] : memref<16384xi32, #tpu.memory_space<hbm>> -> memref<2048xi32, #tpu.memory_space<hbm>>
      %dma_start3A_117 = arith.constant 0 : i32
      %dma_start3A_118 = tpu.memref_slice %arg2[%dma_start3A_117] : memref<16384xi32, #tpu.memory_space<hbm>> -> memref<2048xi32, #tpu.memory_space<hbm>>
      tpu.enqueue_dma source(%dma_start3A_118 : memref<2048xi32, #tpu.memory_space<hbm>>) target(%arg6 : memref<2048xi32, #tpu.memory_space<vmem>>) target_semaphore(%run_scoped3A : memref<!tpu.dma_semaphore, #tpu.memory_space<semaphore_mem>>)
      %dma_wait3A = arith.constant 0 : i32
      %dma_wait3A_119 = tpu.memref_slice %arg2[%dma_wait3A] : memref<16384xi32, #tpu.memory_space<hbm>> -> memref<2048xi32, #tpu.memory_space<hbm>>
      %dma_wait3A_120 = arith.constant 0 : i32
      %dma_wait3A_121 = tpu.memref_slice %arg2[%dma_wait3A_120] : memref<16384xi32, #tpu.memory_space<hbm>> -> memref<2048xi32, #tpu.memory_space<hbm>>
      tpu.wait_dma2 semaphore(%run_scoped3A : memref<!tpu.dma_semaphore, #tpu.memory_space<semaphore_mem>>) src(%dma_wait3A_121 : memref<2048xi32, #tpu.memory_space<hbm>>) dst(%arg6 : memref<2048xi32, #tpu.memory_space<vmem>>)
      tpu.yield
    }) : () -> ()
    %scan3A = arith.constant 0 : i32
    %scan3A_3 = arith.constant 0 : i32
    %scan3A_4 = arith.constant 128 : i32
    %scan3A_5 = arith.addi %scan3A_3, %scan3A_4 : i32
    %scan3A_6 = arith.constant 1 : i32
    %scan3A_7 = scf.for %scan3A_116 = %scan3A_3 to %scan3A_5 step %scan3A_6 iter_args(%scan3A_117 = %scan3A) -> (i32)  : i32 {
      %mul3A_118 = arith.constant 16 : i32
      %mul3A_119 = arith.muli %scan3A_116, %mul3A_118 : i32
      %get3A = arith.index_cast %mul3A_119 : i32 to index
      %get3A_120 = tpu.vector_load %arg6[%get3A] {strides = array<i32>} : memref<2048xi32, #tpu.memory_space<vmem>>, vector<16xi32>,
      %gather3A = tpu.vector_load_idx %arg5[%get3A_120] : memref<100001xf32, #tpu.memory_space<vmem>>[vector<16xi32>], vector<16xf32>,
      %mul3A_121 = arith.constant 16 : i32
      %mul3A_122 = arith.muli %scan3A_116, %mul3A_121 : i32
      %swap3A = arith.index_cast %mul3A_122 : i32 to index
      %swap3A_123 = tpu.vector_load %arg7[%swap3A] {strides = array<i32>} : memref<2048xf32, #tpu.memory_space<vmem>>, vector<16xf32>,
      tpu.vector_store %arg7[%swap3A], %gather3A {strides = array<i32>} : memref<2048xf32, #tpu.memory_space<vmem>>, vector<16xf32>,
      %scan3A_124 = arith.constant 0 : i32
      scf.yield %scan3A_124 : i32
    }
    %scan3A_8 = arith.constant 128 : i32
    "tpu.region"() ({
      %run_scoped3A = tpu.sem_alloc : memref<!tpu.dma_semaphore, #tpu.memory_space<semaphore_mem>>
      %dma_start3A = arith.constant 0 : i32
      %dma_start3A_116 = tpu.memref_slice %arg4[%add3A_2, %dma_start3A] : memref<64x16384xf32, #tpu.memory_space<hbm>> -> memref<1x2048xf32, #tpu.memory_space<hbm>>
      %dma_start3A_117 = tpu.memref_squeeze %dma_start3A_116 : memref<1x2048xf32, #tpu.memory_space<hbm>> -> memref<2048xf32, #tpu.memory_space<hbm>>
      %dma_start3A_118 = arith.constant 0 : i32
      %dma_start3A_119 = tpu.memref_slice %arg4[%add3A_2, %dma_start3A_118] : memref<64x16384xf32, #tpu.memory_space<hbm>> -> memref<1x2048xf32, #tpu.memory_space<hbm>>
      %dma_start3A_120 = tpu.memref_squeeze %dma_start3A_119 : memref<1x2048xf32, #tpu.memory_space<hbm>> -> memref<2048xf32, #tpu.memory_space<hbm>>
      tpu.enqueue_dma source(%arg7 : memref<2048xf32, #tpu.memory_space<vmem>>) target(%dma_start3A_120 : memref<2048xf32, #tpu.memory_space<hbm>>) target_semaphore(%run_scoped3A : memref<!tpu.dma_semaphore, #tpu.memory_space<semaphore_mem>>)
      %dma_wait3A = arith.constant 0 : i32
      %dma_wait3A_121 = tpu.memref_slice %arg4[%add3A_2, %dma_wait3A] : memref<64x16384xf32, #tpu.memory_space<hbm>> -> memref<1x2048xf32, #tpu.memory_space<hbm>>
      %dma_wait3A_122 = tpu.memref_squeeze %dma_wait3A_121 : memref<1x2048xf32, #tpu.memory_space<hbm>> -> memref<2048xf32, #tpu.memory_space<hbm>>
      %dma_wait3A_123 = arith.constant 0 : i32
      %dma_wait3A_124 = tpu.memref_slice %arg4[%add3A_2, %dma_wait3A_123] : memref<64x16384xf32, #tpu.memory_space<hbm>> -> memref<1x2048xf32, #tpu.memory_space<hbm>>
      %dma_wait3A_125 = tpu.memref_squeeze %dma_wait3A_124 : memref<1x2048xf32, #tpu.memory_space<hbm>> -> memref<2048xf32, #tpu.memory_space<hbm>>
      tpu.wait_dma2 semaphore(%run_scoped3A : memref<!tpu.dma_semaphore, #tpu.memory_space<semaphore_mem>>) src(%arg7 : memref<2048xf32, #tpu.memory_space<vmem>>) dst(%dma_wait3A_125 : memref<2048xf32, #tpu.memory_space<hbm>>)
      tpu.yield
    }) : () -> ()
    "tpu.region"() ({
      %run_scoped3A = tpu.sem_alloc : memref<!tpu.dma_semaphore, #tpu.memory_space<semaphore_mem>>
      %dma_start3A = arith.constant 2048 : i32
      %dma_start3A_116 = tpu.memref_slice %arg2[%dma_start3A] : memref<16384xi32, #tpu.memory_space<hbm>> -> memref<2048xi32, #tpu.memory_space<hbm>>
      %dma_start3A_117 = arith.constant 2048 : i32
      %dma_start3A_118 = tpu.memref_slice %arg2[%dma_start3A_117] : memref<16384xi32, #tpu.memory_space<hbm>> -> memref<2048xi32, #tpu.memory_space<hbm>>
      tpu.enqueue_dma source(%dma_start3A_118 : memref<2048xi32, #tpu.memory_space<hbm>>) target(%arg6 : memref<2048xi32, #tpu.memory_space<vmem>>) target_semaphore(%run_scoped3A : memref<!tpu.dma_semaphore, #tpu.memory_space<semaphore_mem>>)
      %dma_wait3A = arith.constant 2048 : i32
      %dma_wait3A_119 = tpu.memref_slice %arg2[%dma_wait3A] : memref<16384xi32, #tpu.memory_space<hbm>> -> memref<2048xi32, #tpu.memory_space<hbm>>
      %dma_wait3A_120 = arith.constant 2048 : i32
      %dma_wait3A_121 = tpu.memref_slice %arg2[%dma_wait3A_120] : memref<16384xi32, #tpu.memory_space<hbm>> -> memref<2048xi32, #tpu.memory_space<hbm>>
      tpu.wait_dma2 semaphore(%run_scoped3A : memref<!tpu.dma_semaphore, #tpu.memory_space<semaphore_mem>>) src(%dma_wait3A_121 : memref<2048xi32, #tpu.memory_space<hbm>>) dst(%arg6 : memref<2048xi32, #tpu.memory_space<vmem>>)
      tpu.yield
    }) : () -> ()
    %scan3A_9 = arith.constant 0 : i32
    %scan3A_10 = arith.constant 0 : i32
    %scan3A_11 = arith.constant 128 : i32
    %scan3A_12 = arith.addi %scan3A_10, %scan3A_11 : i32
    %scan3A_13 = arith.constant 1 : i32
    %scan3A_14 = scf.for %scan3A_116 = %scan3A_10 to %scan3A_12 step %scan3A_13 iter_args(%scan3A_117 = %scan3A_9) -> (i32)  : i32 {
      %mul3A_118 = arith.constant 16 : i32
      %mul3A_119 = arith.muli %scan3A_116, %mul3A_118 : i32
      %get3A = arith.index_cast %mul3A_119 : i32 to index
      %get3A_120 = tpu.vector_load %arg6[%get3A] {strides = array<i32>} : memref<2048xi32, #tpu.memory_space<vmem>>, vector<16xi32>,
      %gather3A = tpu.vector_load_idx %arg5[%get3A_120] : memref<100001xf32, #tpu.memory_space<vmem>>[vector<16xi32>], vector<16xf32>,
      %mul3A_121 = arith.constant 16 : i32
      %mul3A_122 = arith.muli %scan3A_116, %mul3A_121 : i32
      %swap3A = arith.index_cast %mul3A_122 : i32 to index
      %swap3A_123 = tpu.vector_load %arg7[%swap3A] {strides = array<i32>} : memref<2048xf32, #tpu.memory_space<vmem>>, vector<16xf32>,
      tpu.vector_store %arg7[%swap3A], %gather3A {strides = array<i32>} : memref<2048xf32, #tpu.memory_space<vmem>>, vector<16xf32>,
      %scan3A_124 = arith.constant 0 : i32
      scf.yield %scan3A_124 : i32
    }
    %scan3A_15 = arith.constant 128 : i32
    "tpu.region"() ({
      %run_scoped3A = tpu.sem_alloc : memref<!tpu.dma_semaphore, #tpu.memory_space<semaphore_mem>>
      %dma_start3A = arith.constant 2048 : i32
      %dma_start3A_116 = tpu.memref_slice %arg4[%add3A_2, %dma_start3A] : memref<64x16384xf32, #tpu.memory_space<hbm>> -> memref<1x2048xf32, #tpu.memory_space<hbm>>
      %dma_start3A_117 = tpu.memref_squeeze %dma_start3A_116 : memref<1x2048xf32, #tpu.memory_space<hbm>> -> memref<2048xf32, #tpu.memory_space<hbm>>
      %dma_start3A_118 = arith.constant 2048 : i32
      %dma_start3A_119 = tpu.memref_slice %arg4[%add3A_2, %dma_start3A_118] : memref<64x16384xf32, #tpu.memory_space<hbm>> -> memref<1x2048xf32, #tpu.memory_space<hbm>>
      %dma_start3A_120 = tpu.memref_squeeze %dma_start3A_119 : memref<1x2048xf32, #tpu.memory_space<hbm>> -> memref<2048xf32, #tpu.memory_space<hbm>>
      tpu.enqueue_dma source(%arg7 : memref<2048xf32, #tpu.memory_space<vmem>>) target(%dma_start3A_120 : memref<2048xf32, #tpu.memory_space<hbm>>) target_semaphore(%run_scoped3A : memref<!tpu.dma_semaphore, #tpu.memory_space<semaphore_mem>>)
      %dma_wait3A = arith.constant 2048 : i32
      %dma_wait3A_121 = tpu.memref_slice %arg4[%add3A_2, %dma_wait3A] : memref<64x16384xf32, #tpu.memory_space<hbm>> -> memref<1x2048xf32, #tpu.memory_space<hbm>>
      %dma_wait3A_122 = tpu.memref_squeeze %dma_wait3A_121 : memref<1x2048xf32, #tpu.memory_space<hbm>> -> memref<2048xf32, #tpu.memory_space<hbm>>
      %dma_wait3A_123 = arith.constant 2048 : i32
      %dma_wait3A_124 = tpu.memref_slice %arg4[%add3A_2, %dma_wait3A_123] : memref<64x16384xf32, #tpu.memory_space<hbm>> -> memref<1x2048xf32, #tpu.memory_space<hbm>>
      %dma_wait3A_125 = tpu.memref_squeeze %dma_wait3A_124 : memref<1x2048xf32, #tpu.memory_space<hbm>> -> memref<2048xf32, #tpu.memory_space<hbm>>
      tpu.wait_dma2 semaphore(%run_scoped3A : memref<!tpu.dma_semaphore, #tpu.memory_space<semaphore_mem>>) src(%arg7 : memref<2048xf32, #tpu.memory_space<vmem>>) dst(%dma_wait3A_125 : memref<2048xf32, #tpu.memory_space<hbm>>)
      tpu.yield
    }) : () -> ()
    "tpu.region"() ({
      %run_scoped3A = tpu.sem_alloc : memref<!tpu.dma_semaphore, #tpu.memory_space<semaphore_mem>>
      %dma_start3A = arith.constant 4096 : i32
      %dma_start3A_116 = tpu.memref_slice %arg2[%dma_start3A] : memref<16384xi32, #tpu.memory_space<hbm>> -> memref<2048xi32, #tpu.memory_space<hbm>>
      %dma_start3A_117 = arith.constant 4096 : i32
      %dma_start3A_118 = tpu.memref_slice %arg2[%dma_start3A_117] : memref<16384xi32, #tpu.memory_space<hbm>> -> memref<2048xi32, #tpu.memory_space<hbm>>
      tpu.enqueue_dma source(%dma_start3A_118 : memref<2048xi32, #tpu.memory_space<hbm>>) target(%arg6 : memref<2048xi32, #tpu.memory_space<vmem>>) target_semaphore(%run_scoped3A : memref<!tpu.dma_semaphore, #tpu.memory_space<semaphore_mem>>)
      %dma_wait3A = arith.constant 4096 : i32
      %dma_wait3A_119 = tpu.memref_slice %arg2[%dma_wait3A] : memref<16384xi32, #tpu.memory_space<hbm>> -> memref<2048xi32, #tpu.memory_space<hbm>>
      %dma_wait3A_120 = arith.constant 4096 : i32
      %dma_wait3A_121 = tpu.memref_slice %arg2[%dma_wait3A_120] : memref<16384xi32, #tpu.memory_space<hbm>> -> memref<2048xi32, #tpu.memory_space<hbm>>
      tpu.wait_dma2 semaphore(%run_scoped3A : memref<!tpu.dma_semaphore, #tpu.memory_space<semaphore_mem>>) src(%dma_wait3A_121 : memref<2048xi32, #tpu.memory_space<hbm>>) dst(%arg6 : memref<2048xi32, #tpu.memory_space<vmem>>)
      tpu.yield
    }) : () -> ()
    %scan3A_16 = arith.constant 0 : i32
    %scan3A_17 = arith.constant 0 : i32
    %scan3A_18 = arith.constant 128 : i32
    %scan3A_19 = arith.addi %scan3A_17, %scan3A_18 : i32
    %scan3A_20 = arith.constant 1 : i32
    %scan3A_21 = scf.for %scan3A_116 = %scan3A_17 to %scan3A_19 step %scan3A_20 iter_args(%scan3A_117 = %scan3A_16) -> (i32)  : i32 {
      %mul3A_118 = arith.constant 16 : i32
      %mul3A_119 = arith.muli %scan3A_116, %mul3A_118 : i32
      %get3A = arith.index_cast %mul3A_119 : i32 to index
      %get3A_120 = tpu.vector_load %arg6[%get3A] {strides = array<i32>} : memref<2048xi32, #tpu.memory_space<vmem>>, vector<16xi32>,
      %gather3A = tpu.vector_load_idx %arg5[%get3A_120] : memref<100001xf32, #tpu.memory_space<vmem>>[vector<16xi32>], vector<16xf32>,
      %mul3A_121 = arith.constant 16 : i32
      %mul3A_122 = arith.muli %scan3A_116, %mul3A_121 : i32
      %swap3A = arith.index_cast %mul3A_122 : i32 to index
      %swap3A_123 = tpu.vector_load %arg7[%swap3A] {strides = array<i32>} : memref<2048xf32, #tpu.memory_space<vmem>>, vector<16xf32>,
      tpu.vector_store %arg7[%swap3A], %gather3A {strides = array<i32>} : memref<2048xf32, #tpu.memory_space<vmem>>, vector<16xf32>,
      %scan3A_124 = arith.constant 0 : i32
      scf.yield %scan3A_124 : i32
    }
    %scan3A_22 = arith.constant 128 : i32
    "tpu.region"() ({
      %run_scoped3A = tpu.sem_alloc : memref<!tpu.dma_semaphore, #tpu.memory_space<semaphore_mem>>
      %dma_start3A = arith.constant 4096 : i32
      %dma_start3A_116 = tpu.memref_slice %arg4[%add3A_2, %dma_start3A] : memref<64x16384xf32, #tpu.memory_space<hbm>> -> memref<1x2048xf32, #tpu.memory_space<hbm>>
      %dma_start3A_117 = tpu.memref_squeeze %dma_start3A_116 : memref<1x2048xf32, #tpu.memory_space<hbm>> -> memref<2048xf32, #tpu.memory_space<hbm>>
      %dma_start3A_118 = arith.constant 4096 : i32
      %dma_start3A_119 = tpu.memref_slice %arg4[%add3A_2, %dma_start3A_118] : memref<64x16384xf32, #tpu.memory_space<hbm>> -> memref<1x2048xf32, #tpu.memory_space<hbm>>
      %dma_start3A_120 = tpu.memref_squeeze %dma_start3A_119 : memref<1x2048xf32, #tpu.memory_space<hbm>> -> memref<2048xf32, #tpu.memory_space<hbm>>
      tpu.enqueue_dma source(%arg7 : memref<2048xf32, #tpu.memory_space<vmem>>) target(%dma_start3A_120 : memref<2048xf32, #tpu.memory_space<hbm>>) target_semaphore(%run_scoped3A : memref<!tpu.dma_semaphore, #tpu.memory_space<semaphore_mem>>)
      %dma_wait3A = arith.constant 4096 : i32
      %dma_wait3A_121 = tpu.memref_slice %arg4[%add3A_2, %dma_wait3A] : memref<64x16384xf32, #tpu.memory_space<hbm>> -> memref<1x2048xf32, #tpu.memory_space<hbm>>
      %dma_wait3A_122 = tpu.memref_squeeze %dma_wait3A_121 : memref<1x2048xf32, #tpu.memory_space<hbm>> -> memref<2048xf32, #tpu.memory_space<hbm>>
      %dma_wait3A_123 = arith.constant 4096 : i32
      %dma_wait3A_124 = tpu.memref_slice %arg4[%add3A_2, %dma_wait3A_123] : memref<64x16384xf32, #tpu.memory_space<hbm>> -> memref<1x2048xf32, #tpu.memory_space<hbm>>
      %dma_wait3A_125 = tpu.memref_squeeze %dma_wait3A_124 : memref<1x2048xf32, #tpu.memory_space<hbm>> -> memref<2048xf32, #tpu.memory_space<hbm>>
      tpu.wait_dma2 semaphore(%run_scoped3A : memref<!tpu.dma_semaphore, #tpu.memory_space<semaphore_mem>>) src(%arg7 : memref<2048xf32, #tpu.memory_space<vmem>>) dst(%dma_wait3A_125 : memref<2048xf32, #tpu.memory_space<hbm>>)
      tpu.yield
    }) : () -> ()
    "tpu.region"() ({
      %run_scoped3A = tpu.sem_alloc : memref<!tpu.dma_semaphore, #tpu.memory_space<semaphore_mem>>
      %dma_start3A = arith.constant 6144 : i32
      %dma_start3A_116 = tpu.memref_slice %arg2[%dma_start3A] : memref<16384xi32, #tpu.memory_space<hbm>> -> memref<2048xi32, #tpu.memory_space<hbm>>
      %dma_start3A_117 = arith.constant 6144 : i32
      %dma_start3A_118 = tpu.memref_slice %arg2[%dma_start3A_117] : memref<16384xi32, #tpu.memory_space<hbm>> -> memref<2048xi32, #tpu.memory_space<hbm>>
      tpu.enqueue_dma source(%dma_start3A_118 : memref<2048xi32, #tpu.memory_space<hbm>>) target(%arg6 : memref<2048xi32, #tpu.memory_space<vmem>>) target_semaphore(%run_scoped3A : memref<!tpu.dma_semaphore, #tpu.memory_space<semaphore_mem>>)
      %dma_wait3A = arith.constant 6144 : i32
      %dma_wait3A_119 = tpu.memref_slice %arg2[%dma_wait3A] : memref<16384xi32, #tpu.memory_space<hbm>> -> memref<2048xi32, #tpu.memory_space<hbm>>
      %dma_wait3A_120 = arith.constant 6144 : i32
      %dma_wait3A_121 = tpu.memref_slice %arg2[%dma_wait3A_120] : memref<16384xi32, #tpu.memory_space<hbm>> -> memref<2048xi32, #tpu.memory_space<hbm>>
      tpu.wait_dma2 semaphore(%run_scoped3A : memref<!tpu.dma_semaphore, #tpu.memory_space<semaphore_mem>>) src(%dma_wait3A_121 : memref<2048xi32, #tpu.memory_space<hbm>>) dst(%arg6 : memref<2048xi32, #tpu.memory_space<vmem>>)
      tpu.yield
    }) : () -> ()
    %scan3A_23 = arith.constant 0 : i32
    %scan3A_24 = arith.constant 0 : i32
    %scan3A_25 = arith.constant 128 : i32
    %scan3A_26 = arith.addi %scan3A_24, %scan3A_25 : i32
    %scan3A_27 = arith.constant 1 : i32
    %scan3A_28 = scf.for %scan3A_116 = %scan3A_24 to %scan3A_26 step %scan3A_27 iter_args(%scan3A_117 = %scan3A_23) -> (i32)  : i32 {
      %mul3A_118 = arith.constant 16 : i32
      %mul3A_119 = arith.muli %scan3A_116, %mul3A_118 : i32
      %get3A = arith.index_cast %mul3A_119 : i32 to index
      %get3A_120 = tpu.vector_load %arg6[%get3A] {strides = array<i32>} : memref<2048xi32, #tpu.memory_space<vmem>>, vector<16xi32>,
      %gather3A = tpu.vector_load_idx %arg5[%get3A_120] : memref<100001xf32, #tpu.memory_space<vmem>>[vector<16xi32>], vector<16xf32>,
      %mul3A_121 = arith.constant 16 : i32
      %mul3A_122 = arith.muli %scan3A_116, %mul3A_121 : i32
      %swap3A = arith.index_cast %mul3A_122 : i32 to index
      %swap3A_123 = tpu.vector_load %arg7[%swap3A] {strides = array<i32>} : memref<2048xf32, #tpu.memory_space<vmem>>, vector<16xf32>,
      tpu.vector_store %arg7[%swap3A], %gather3A {strides = array<i32>} : memref<2048xf32, #tpu.memory_space<vmem>>, vector<16xf32>,
      %scan3A_124 = arith.constant 0 : i32
      scf.yield %scan3A_124 : i32
    }
    %scan3A_29 = arith.constant 128 : i32
    "tpu.region"() ({
      %run_scoped3A = tpu.sem_alloc : memref<!tpu.dma_semaphore, #tpu.memory_space<semaphore_mem>>
      %dma_start3A = arith.constant 6144 : i32
      %dma_start3A_116 = tpu.memref_slice %arg4[%add3A_2, %dma_start3A] : memref<64x16384xf32, #tpu.memory_space<hbm>> -> memref<1x2048xf32, #tpu.memory_space<hbm>>
      %dma_start3A_117 = tpu.memref_squeeze %dma_start3A_116 : memref<1x2048xf32, #tpu.memory_space<hbm>> -> memref<2048xf32, #tpu.memory_space<hbm>>
      %dma_start3A_118 = arith.constant 6144 : i32
      %dma_start3A_119 = tpu.memref_slice %arg4[%add3A_2, %dma_start3A_118] : memref<64x16384xf32, #tpu.memory_space<hbm>> -> memref<1x2048xf32, #tpu.memory_space<hbm>>
      %dma_start3A_120 = tpu.memref_squeeze %dma_start3A_119 : memref<1x2048xf32, #tpu.memory_space<hbm>> -> memref<2048xf32, #tpu.memory_space<hbm>>
      tpu.enqueue_dma source(%arg7 : memref<2048xf32, #tpu.memory_space<vmem>>) target(%dma_start3A_120 : memref<2048xf32, #tpu.memory_space<hbm>>) target_semaphore(%run_scoped3A : memref<!tpu.dma_semaphore, #tpu.memory_space<semaphore_mem>>)
      %dma_wait3A = arith.constant 6144 : i32
      %dma_wait3A_121 = tpu.memref_slice %arg4[%add3A_2, %dma_wait3A] : memref<64x16384xf32, #tpu.memory_space<hbm>> -> memref<1x2048xf32, #tpu.memory_space<hbm>>
      %dma_wait3A_122 = tpu.memref_squeeze %dma_wait3A_121 : memref<1x2048xf32, #tpu.memory_space<hbm>> -> memref<2048xf32, #tpu.memory_space<hbm>>
      %dma_wait3A_123 = arith.constant 6144 : i32
      %dma_wait3A_124 = tpu.memref_slice %arg4[%add3A_2, %dma_wait3A_123] : memref<64x16384xf32, #tpu.memory_space<hbm>> -> memref<1x2048xf32, #tpu.memory_space<hbm>>
      %dma_wait3A_125 = tpu.memref_squeeze %dma_wait3A_124 : memref<1x2048xf32, #tpu.memory_space<hbm>> -> memref<2048xf32, #tpu.memory_space<hbm>>
      tpu.wait_dma2 semaphore(%run_scoped3A : memref<!tpu.dma_semaphore, #tpu.memory_space<semaphore_mem>>) src(%arg7 : memref<2048xf32, #tpu.memory_space<vmem>>) dst(%dma_wait3A_125 : memref<2048xf32, #tpu.memory_space<hbm>>)
      tpu.yield
    }) : () -> ()
    "tpu.region"() ({
      %run_scoped3A = tpu.sem_alloc : memref<!tpu.dma_semaphore, #tpu.memory_space<semaphore_mem>>
      %dma_start3A = arith.constant 8192 : i32
      %dma_start3A_116 = tpu.memref_slice %arg2[%dma_start3A] : memref<16384xi32, #tpu.memory_space<hbm>> -> memref<2048xi32, #tpu.memory_space<hbm>>
      %dma_start3A_117 = arith.constant 8192 : i32
      %dma_start3A_118 = tpu.memref_slice %arg2[%dma_start3A_117] : memref<16384xi32, #tpu.memory_space<hbm>> -> memref<2048xi32, #tpu.memory_space<hbm>>
      tpu.enqueue_dma source(%dma_start3A_118 : memref<2048xi32, #tpu.memory_space<hbm>>) target(%arg6 : memref<2048xi32, #tpu.memory_space<vmem>>) target_semaphore(%run_scoped3A : memref<!tpu.dma_semaphore, #tpu.memory_space<semaphore_mem>>)
      %dma_wait3A = arith.constant 8192 : i32
      %dma_wait3A_119 = tpu.memref_slice %arg2[%dma_wait3A] : memref<16384xi32, #tpu.memory_space<hbm>> -> memref<2048xi32, #tpu.memory_space<hbm>>
      %dma_wait3A_120 = arith.constant 8192 : i32
      %dma_wait3A_121 = tpu.memref_slice %arg2[%dma_wait3A_120] : memref<16384xi32, #tpu.memory_space<hbm>> -> memref<2048xi32, #tpu.memory_space<hbm>>
      tpu.wait_dma2 semaphore(%run_scoped3A : memref<!tpu.dma_semaphore, #tpu.memory_space<semaphore_mem>>) src(%dma_wait3A_121 : memref<2048xi32, #tpu.memory_space<hbm>>) dst(%arg6 : memref<2048xi32, #tpu.memory_space<vmem>>)
      tpu.yield
    }) : () -> ()
    %scan3A_30 = arith.constant 0 : i32
    %scan3A_31 = arith.constant 0 : i32
    %scan3A_32 = arith.constant 128 : i32
    %scan3A_33 = arith.addi %scan3A_31, %scan3A_32 : i32
    %scan3A_34 = arith.constant 1 : i32
    %scan3A_35 = scf.for %scan3A_116 = %scan3A_31 to %scan3A_33 step %scan3A_34 iter_args(%scan3A_117 = %scan3A_30) -> (i32)  : i32 {
      %mul3A_118 = arith.constant 16 : i32
      %mul3A_119 = arith.muli %scan3A_116, %mul3A_118 : i32
      %get3A = arith.index_cast %mul3A_119 : i32 to index
      %get3A_120 = tpu.vector_load %arg6[%get3A] {strides = array<i32>} : memref<2048xi32, #tpu.memory_space<vmem>>, vector<16xi32>,
      %gather3A = tpu.vector_load_idx %arg5[%get3A_120] : memref<100001xf32, #tpu.memory_space<vmem>>[vector<16xi32>], vector<16xf32>,
      %mul3A_121 = arith.constant 16 : i32
      %mul3A_122 = arith.muli %scan3A_116, %mul3A_121 : i32
      %swap3A = arith.index_cast %mul3A_122 : i32 to index
      %swap3A_123 = tpu.vector_load %arg7[%swap3A] {strides = array<i32>} : memref<2048xf32, #tpu.memory_space<vmem>>, vector<16xf32>,
      tpu.vector_store %arg7[%swap3A], %gather3A {strides = array<i32>} : memref<2048xf32, #tpu.memory_space<vmem>>, vector<16xf32>,
      %scan3A_124 = arith.constant 0 : i32
      scf.yield %scan3A_124 : i32
    }
    %scan3A_36 = arith.constant 128 : i32
    "tpu.region"() ({
      %run_scoped3A = tpu.sem_alloc : memref<!tpu.dma_semaphore, #tpu.memory_space<semaphore_mem>>
      %dma_start3A = arith.constant 8192 : i32
      %dma_start3A_116 = tpu.memref_slice %arg4[%add3A_2, %dma_start3A] : memref<64x16384xf32, #tpu.memory_space<hbm>> -> memref<1x2048xf32, #tpu.memory_space<hbm>>
      %dma_start3A_117 = tpu.memref_squeeze %dma_start3A_116 : memref<1x2048xf32, #tpu.memory_space<hbm>> -> memref<2048xf32, #tpu.memory_space<hbm>>
      %dma_start3A_118 = arith.constant 8192 : i32
      %dma_start3A_119 = tpu.memref_slice %arg4[%add3A_2, %dma_start3A_118] : memref<64x16384xf32, #tpu.memory_space<hbm>> -> memref<1x2048xf32, #tpu.memory_space<hbm>>
      %dma_start3A_120 = tpu.memref_squeeze %dma_start3A_119 : memref<1x2048xf32, #tpu.memory_space<hbm>> -> memref<2048xf32, #tpu.memory_space<hbm>>
      tpu.enqueue_dma source(%arg7 : memref<2048xf32, #tpu.memory_space<vmem>>) target(%dma_start3A_120 : memref<2048xf32, #tpu.memory_space<hbm>>) target_semaphore(%run_scoped3A : memref<!tpu.dma_semaphore, #tpu.memory_space<semaphore_mem>>)
      %dma_wait3A = arith.constant 8192 : i32
      %dma_wait3A_121 = tpu.memref_slice %arg4[%add3A_2, %dma_wait3A] : memref<64x16384xf32, #tpu.memory_space<hbm>> -> memref<1x2048xf32, #tpu.memory_space<hbm>>
      %dma_wait3A_122 = tpu.memref_squeeze %dma_wait3A_121 : memref<1x2048xf32, #tpu.memory_space<hbm>> -> memref<2048xf32, #tpu.memory_space<hbm>>
      %dma_wait3A_123 = arith.constant 8192 : i32
      %dma_wait3A_124 = tpu.memref_slice %arg4[%add3A_2, %dma_wait3A_123] : memref<64x16384xf32, #tpu.memory_space<hbm>> -> memref<1x2048xf32, #tpu.memory_space<hbm>>
      %dma_wait3A_125 = tpu.memref_squeeze %dma_wait3A_124 : memref<1x2048xf32, #tpu.memory_space<hbm>> -> memref<2048xf32, #tpu.memory_space<hbm>>
      tpu.wait_dma2 semaphore(%run_scoped3A : memref<!tpu.dma_semaphore, #tpu.memory_space<semaphore_mem>>) src(%arg7 : memref<2048xf32, #tpu.memory_space<vmem>>) dst(%dma_wait3A_125 : memref<2048xf32, #tpu.memory_space<hbm>>)
      tpu.yield
    }) : () -> ()
    "tpu.region"() ({
      %run_scoped3A = tpu.sem_alloc : memref<!tpu.dma_semaphore, #tpu.memory_space<semaphore_mem>>
      %dma_start3A = arith.constant 10240 : i32
      %dma_start3A_116 = tpu.memref_slice %arg2[%dma_start3A] : memref<16384xi32, #tpu.memory_space<hbm>> -> memref<2048xi32, #tpu.memory_space<hbm>>
      %dma_start3A_117 = arith.constant 10240 : i32
      %dma_start3A_118 = tpu.memref_slice %arg2[%dma_start3A_117] : memref<16384xi32, #tpu.memory_space<hbm>> -> memref<2048xi32, #tpu.memory_space<hbm>>
      tpu.enqueue_dma source(%dma_start3A_118 : memref<2048xi32, #tpu.memory_space<hbm>>) target(%arg6 : memref<2048xi32, #tpu.memory_space<vmem>>) target_semaphore(%run_scoped3A : memref<!tpu.dma_semaphore, #tpu.memory_space<semaphore_mem>>)
      %dma_wait3A = arith.constant 10240 : i32
      %dma_wait3A_119 = tpu.memref_slice %arg2[%dma_wait3A] : memref<16384xi32, #tpu.memory_space<hbm>> -> memref<2048xi32, #tpu.memory_space<hbm>>
      %dma_wait3A_120 = arith.constant 10240 : i32
      %dma_wait3A_121 = tpu.memref_slice %arg2[%dma_wait3A_120] : memref<16384xi32, #tpu.memory_space<hbm>> -> memref<2048xi32, #tpu.memory_space<hbm>>
      tpu.wait_dma2 semaphore(%run_scoped3A : memref<!tpu.dma_semaphore, #tpu.memory_space<semaphore_mem>>) src(%dma_wait3A_121 : memref<2048xi32, #tpu.memory_space<hbm>>) dst(%arg6 : memref<2048xi32, #tpu.memory_space<vmem>>)
      tpu.yield
    }) : () -> ()
    %scan3A_37 = arith.constant 0 : i32
    %scan3A_38 = arith.constant 0 : i32
    %scan3A_39 = arith.constant 128 : i32
    %scan3A_40 = arith.addi %scan3A_38, %scan3A_39 : i32
    %scan3A_41 = arith.constant 1 : i32
    %scan3A_42 = scf.for %scan3A_116 = %scan3A_38 to %scan3A_40 step %scan3A_41 iter_args(%scan3A_117 = %scan3A_37) -> (i32)  : i32 {
      %mul3A_118 = arith.constant 16 : i32
      %mul3A_119 = arith.muli %scan3A_116, %mul3A_118 : i32
      %get3A = arith.index_cast %mul3A_119 : i32 to index
      %get3A_120 = tpu.vector_load %arg6[%get3A] {strides = array<i32>} : memref<2048xi32, #tpu.memory_space<vmem>>, vector<16xi32>,
      %gather3A = tpu.vector_load_idx %arg5[%get3A_120] : memref<100001xf32, #tpu.memory_space<vmem>>[vector<16xi32>], vector<16xf32>,
      %mul3A_121 = arith.constant 16 : i32
      %mul3A_122 = arith.muli %scan3A_116, %mul3A_121 : i32
      %swap3A = arith.index_cast %mul3A_122 : i32 to index
      %swap3A_123 = tpu.vector_load %arg7[%swap3A] {strides = array<i32>} : memref<2048xf32, #tpu.memory_space<vmem>>, vector<16xf32>,
      tpu.vector_store %arg7[%swap3A], %gather3A {strides = array<i32>} : memref<2048xf32, #tpu.memory_space<vmem>>, vector<16xf32>,
      %scan3A_124 = arith.constant 0 : i32
      scf.yield %scan3A_124 : i32
    }
    %scan3A_43 = arith.constant 128 : i32
    "tpu.region"() ({
      %run_scoped3A = tpu.sem_alloc : memref<!tpu.dma_semaphore, #tpu.memory_space<semaphore_mem>>
      %dma_start3A = arith.constant 10240 : i32
      %dma_start3A_116 = tpu.memref_slice %arg4[%add3A_2, %dma_start3A] : memref<64x16384xf32, #tpu.memory_space<hbm>> -> memref<1x2048xf32, #tpu.memory_space<hbm>>
      %dma_start3A_117 = tpu.memref_squeeze %dma_start3A_116 : memref<1x2048xf32, #tpu.memory_space<hbm>> -> memref<2048xf32, #tpu.memory_space<hbm>>
      %dma_start3A_118 = arith.constant 10240 : i32
      %dma_start3A_119 = tpu.memref_slice %arg4[%add3A_2, %dma_start3A_118] : memref<64x16384xf32, #tpu.memory_space<hbm>> -> memref<1x2048xf32, #tpu.memory_space<hbm>>
      %dma_start3A_120 = tpu.memref_squeeze %dma_start3A_119 : memref<1x2048xf32, #tpu.memory_space<hbm>> -> memref<2048xf32, #tpu.memory_space<hbm>>
      tpu.enqueue_dma source(%arg7 : memref<2048xf32, #tpu.memory_space<vmem>>) target(%dma_start3A_120 : memref<2048xf32, #tpu.memory_space<hbm>>) target_semaphore(%run_scoped3A : memref<!tpu.dma_semaphore, #tpu.memory_space<semaphore_mem>>)
      %dma_wait3A = arith.constant 10240 : i32
      %dma_wait3A_121 = tpu.memref_slice %arg4[%add3A_2, %dma_wait3A] : memref<64x16384xf32, #tpu.memory_space<hbm>> -> memref<1x2048xf32, #tpu.memory_space<hbm>>
      %dma_wait3A_122 = tpu.memref_squeeze %dma_wait3A_121 : memref<1x2048xf32, #tpu.memory_space<hbm>> -> memref<2048xf32, #tpu.memory_space<hbm>>
      %dma_wait3A_123 = arith.constant 10240 : i32
      %dma_wait3A_124 = tpu.memref_slice %arg4[%add3A_2, %dma_wait3A_123] : memref<64x16384xf32, #tpu.memory_space<hbm>> -> memref<1x2048xf32, #tpu.memory_space<hbm>>
      %dma_wait3A_125 = tpu.memref_squeeze %dma_wait3A_124 : memref<1x2048xf32, #tpu.memory_space<hbm>> -> memref<2048xf32, #tpu.memory_space<hbm>>
      tpu.wait_dma2 semaphore(%run_scoped3A : memref<!tpu.dma_semaphore, #tpu.memory_space<semaphore_mem>>) src(%arg7 : memref<2048xf32, #tpu.memory_space<vmem>>) dst(%dma_wait3A_125 : memref<2048xf32, #tpu.memory_space<hbm>>)
      tpu.yield
    }) : () -> ()
    "tpu.region"() ({
      %run_scoped3A = tpu.sem_alloc : memref<!tpu.dma_semaphore, #tpu.memory_space<semaphore_mem>>
      %dma_start3A = arith.constant 12288 : i32
      %dma_start3A_116 = tpu.memref_slice %arg2[%dma_start3A] : memref<16384xi32, #tpu.memory_space<hbm>> -> memref<2048xi32, #tpu.memory_space<hbm>>
      %dma_start3A_117 = arith.constant 12288 : i32
      %dma_start3A_118 = tpu.memref_slice %arg2[%dma_start3A_117] : memref<16384xi32, #tpu.memory_space<hbm>> -> memref<2048xi32, #tpu.memory_space<hbm>>
      tpu.enqueue_dma source(%dma_start3A_118 : memref<2048xi32, #tpu.memory_space<hbm>>) target(%arg6 : memref<2048xi32, #tpu.memory_space<vmem>>) target_semaphore(%run_scoped3A : memref<!tpu.dma_semaphore, #tpu.memory_space<semaphore_mem>>)
      %dma_wait3A = arith.constant 12288 : i32
      %dma_wait3A_119 = tpu.memref_slice %arg2[%dma_wait3A] : memref<16384xi32, #tpu.memory_space<hbm>> -> memref<2048xi32, #tpu.memory_space<hbm>>
      %dma_wait3A_120 = arith.constant 12288 : i32
      %dma_wait3A_121 = tpu.memref_slice %arg2[%dma_wait3A_120] : memref<16384xi32, #tpu.memory_space<hbm>> -> memref<2048xi32, #tpu.memory_space<hbm>>
      tpu.wait_dma2 semaphore(%run_scoped3A : memref<!tpu.dma_semaphore, #tpu.memory_space<semaphore_mem>>) src(%dma_wait3A_121 : memref<2048xi32, #tpu.memory_space<hbm>>) dst(%arg6 : memref<2048xi32, #tpu.memory_space<vmem>>)
      tpu.yield
    }) : () -> ()
    %scan3A_44 = arith.constant 0 : i32
    %scan3A_45 = arith.constant 0 : i32
    %scan3A_46 = arith.constant 128 : i32
    %scan3A_47 = arith.addi %scan3A_45, %scan3A_46 : i32
    %scan3A_48 = arith.constant 1 : i32
    %scan3A_49 = scf.for %scan3A_116 = %scan3A_45 to %scan3A_47 step %scan3A_48 iter_args(%scan3A_117 = %scan3A_44) -> (i32)  : i32 {
      %mul3A_118 = arith.constant 16 : i32
      %mul3A_119 = arith.muli %scan3A_116, %mul3A_118 : i32
      %get3A = arith.index_cast %mul3A_119 : i32 to index
      %get3A_120 = tpu.vector_load %arg6[%get3A] {strides = array<i32>} : memref<2048xi32, #tpu.memory_space<vmem>>, vector<16xi32>,
      %gather3A = tpu.vector_load_idx %arg5[%get3A_120] : memref<100001xf32, #tpu.memory_space<vmem>>[vector<16xi32>], vector<16xf32>,
      %mul3A_121 = arith.constant 16 : i32
      %mul3A_122 = arith.muli %scan3A_116, %mul3A_121 : i32
      %swap3A = arith.index_cast %mul3A_122 : i32 to index
      %swap3A_123 = tpu.vector_load %arg7[%swap3A] {strides = array<i32>} : memref<2048xf32, #tpu.memory_space<vmem>>, vector<16xf32>,
      tpu.vector_store %arg7[%swap3A], %gather3A {strides = array<i32>} : memref<2048xf32, #tpu.memory_space<vmem>>, vector<16xf32>,
      %scan3A_124 = arith.constant 0 : i32
      scf.yield %scan3A_124 : i32
    }
    %scan3A_50 = arith.constant 128 : i32
    "tpu.region"() ({
      %run_scoped3A = tpu.sem_alloc : memref<!tpu.dma_semaphore, #tpu.memory_space<semaphore_mem>>
      %dma_start3A = arith.constant 12288 : i32
      %dma_start3A_116 = tpu.memref_slice %arg4[%add3A_2, %dma_start3A] : memref<64x16384xf32, #tpu.memory_space<hbm>> -> memref<1x2048xf32, #tpu.memory_space<hbm>>
      %dma_start3A_117 = tpu.memref_squeeze %dma_start3A_116 : memref<1x2048xf32, #tpu.memory_space<hbm>> -> memref<2048xf32, #tpu.memory_space<hbm>>
      %dma_start3A_118 = arith.constant 12288 : i32
      %dma_start3A_119 = tpu.memref_slice %arg4[%add3A_2, %dma_start3A_118] : memref<64x16384xf32, #tpu.memory_space<hbm>> -> memref<1x2048xf32, #tpu.memory_space<hbm>>
      %dma_start3A_120 = tpu.memref_squeeze %dma_start3A_119 : memref<1x2048xf32, #tpu.memory_space<hbm>> -> memref<2048xf32, #tpu.memory_space<hbm>>
      tpu.enqueue_dma source(%arg7 : memref<2048xf32, #tpu.memory_space<vmem>>) target(%dma_start3A_120 : memref<2048xf32, #tpu.memory_space<hbm>>) target_semaphore(%run_scoped3A : memref<!tpu.dma_semaphore, #tpu.memory_space<semaphore_mem>>)
      %dma_wait3A = arith.constant 12288 : i32
      %dma_wait3A_121 = tpu.memref_slice %arg4[%add3A_2, %dma_wait3A] : memref<64x16384xf32, #tpu.memory_space<hbm>> -> memref<1x2048xf32, #tpu.memory_space<hbm>>
      %dma_wait3A_122 = tpu.memref_squeeze %dma_wait3A_121 : memref<1x2048xf32, #tpu.memory_space<hbm>> -> memref<2048xf32, #tpu.memory_space<hbm>>
      %dma_wait3A_123 = arith.constant 12288 : i32
      %dma_wait3A_124 = tpu.memref_slice %arg4[%add3A_2, %dma_wait3A_123] : memref<64x16384xf32, #tpu.memory_space<hbm>> -> memref<1x2048xf32, #tpu.memory_space<hbm>>
      %dma_wait3A_125 = tpu.memref_squeeze %dma_wait3A_124 : memref<1x2048xf32, #tpu.memory_space<hbm>> -> memref<2048xf32, #tpu.memory_space<hbm>>
      tpu.wait_dma2 semaphore(%run_scoped3A : memref<!tpu.dma_semaphore, #tpu.memory_space<semaphore_mem>>) src(%arg7 : memref<2048xf32, #tpu.memory_space<vmem>>) dst(%dma_wait3A_125 : memref<2048xf32, #tpu.memory_space<hbm>>)
      tpu.yield
    }) : () -> ()
    "tpu.region"() ({
      %run_scoped3A = tpu.sem_alloc : memref<!tpu.dma_semaphore, #tpu.memory_space<semaphore_mem>>
      %dma_start3A = arith.constant 14336 : i32
      %dma_start3A_116 = tpu.memref_slice %arg2[%dma_start3A] : memref<16384xi32, #tpu.memory_space<hbm>> -> memref<2048xi32, #tpu.memory_space<hbm>>
      %dma_start3A_117 = arith.constant 14336 : i32
      %dma_start3A_118 = tpu.memref_slice %arg2[%dma_start3A_117] : memref<16384xi32, #tpu.memory_space<hbm>> -> memref<2048xi32, #tpu.memory_space<hbm>>
      tpu.enqueue_dma source(%dma_start3A_118 : memref<2048xi32, #tpu.memory_space<hbm>>) target(%arg6 : memref<2048xi32, #tpu.memory_space<vmem>>) target_semaphore(%run_scoped3A : memref<!tpu.dma_semaphore, #tpu.memory_space<semaphore_mem>>)
      %dma_wait3A = arith.constant 14336 : i32
      %dma_wait3A_119 = tpu.memref_slice %arg2[%dma_wait3A] : memref<16384xi32, #tpu.memory_space<hbm>> -> memref<2048xi32, #tpu.memory_space<hbm>>
      %dma_wait3A_120 = arith.constant 14336 : i32
      %dma_wait3A_121 = tpu.memref_slice %arg2[%dma_wait3A_120] : memref<16384xi32, #tpu.memory_space<hbm>> -> memref<2048xi32, #tpu.memory_space<hbm>>
      tpu.wait_dma2 semaphore(%run_scoped3A : memref<!tpu.dma_semaphore, #tpu.memory_space<semaphore_mem>>) src(%dma_wait3A_121 : memref<2048xi32, #tpu.memory_space<hbm>>) dst(%arg6 : memref<2048xi32, #tpu.memory_space<vmem>>)
      tpu.yield
    }) : () -> ()
    %scan3A_51 = arith.constant 0 : i32
    %scan3A_52 = arith.constant 0 : i32
    %scan3A_53 = arith.constant 128 : i32
    %scan3A_54 = arith.addi %scan3A_52, %scan3A_53 : i32
    %scan3A_55 = arith.constant 1 : i32
    %scan3A_56 = scf.for %scan3A_116 = %scan3A_52 to %scan3A_54 step %scan3A_55 iter_args(%scan3A_117 = %scan3A_51) -> (i32)  : i32 {
      %mul3A_118 = arith.constant 16 : i32
      %mul3A_119 = arith.muli %scan3A_116, %mul3A_118 : i32
      %get3A = arith.index_cast %mul3A_119 : i32 to index
      %get3A_120 = tpu.vector_load %arg6[%get3A] {strides = array<i32>} : memref<2048xi32, #tpu.memory_space<vmem>>, vector<16xi32>,
      %gather3A = tpu.vector_load_idx %arg5[%get3A_120] : memref<100001xf32, #tpu.memory_space<vmem>>[vector<16xi32>], vector<16xf32>,
      %mul3A_121 = arith.constant 16 : i32
      %mul3A_122 = arith.muli %scan3A_116, %mul3A_121 : i32
      %swap3A = arith.index_cast %mul3A_122 : i32 to index
      %swap3A_123 = tpu.vector_load %arg7[%swap3A] {strides = array<i32>} : memref<2048xf32, #tpu.memory_space<vmem>>, vector<16xf32>,
      tpu.vector_store %arg7[%swap3A], %gather3A {strides = array<i32>} : memref<2048xf32, #tpu.memory_space<vmem>>, vector<16xf32>,
      %scan3A_124 = arith.constant 0 : i32
      scf.yield %scan3A_124 : i32
    }
    %scan3A_57 = arith.constant 128 : i32
    "tpu.region"() ({
      %run_scoped3A = tpu.sem_alloc : memref<!tpu.dma_semaphore, #tpu.memory_space<semaphore_mem>>
      %dma_start3A = arith.constant 14336 : i32
      %dma_start3A_116 = tpu.memref_slice %arg4[%add3A_2, %dma_start3A] : memref<64x16384xf32, #tpu.memory_space<hbm>> -> memref<1x2048xf32, #tpu.memory_space<hbm>>
      %dma_start3A_117 = tpu.memref_squeeze %dma_start3A_116 : memref<1x2048xf32, #tpu.memory_space<hbm>> -> memref<2048xf32, #tpu.memory_space<hbm>>
      %dma_start3A_118 = arith.constant 14336 : i32
      %dma_start3A_119 = tpu.memref_slice %arg4[%add3A_2, %dma_start3A_118] : memref<64x16384xf32, #tpu.memory_space<hbm>> -> memref<1x2048xf32, #tpu.memory_space<hbm>>
      %dma_start3A_120 = tpu.memref_squeeze %dma_start3A_119 : memref<1x2048xf32, #tpu.memory_space<hbm>> -> memref<2048xf32, #tpu.memory_space<hbm>>
      tpu.enqueue_dma source(%arg7 : memref<2048xf32, #tpu.memory_space<vmem>>) target(%dma_start3A_120 : memref<2048xf32, #tpu.memory_space<hbm>>) target_semaphore(%run_scoped3A : memref<!tpu.dma_semaphore, #tpu.memory_space<semaphore_mem>>)
      %dma_wait3A = arith.constant 14336 : i32
      %dma_wait3A_121 = tpu.memref_slice %arg4[%add3A_2, %dma_wait3A] : memref<64x16384xf32, #tpu.memory_space<hbm>> -> memref<1x2048xf32, #tpu.memory_space<hbm>>
      %dma_wait3A_122 = tpu.memref_squeeze %dma_wait3A_121 : memref<1x2048xf32, #tpu.memory_space<hbm>> -> memref<2048xf32, #tpu.memory_space<hbm>>
      %dma_wait3A_123 = arith.constant 14336 : i32
      %dma_wait3A_124 = tpu.memref_slice %arg4[%add3A_2, %dma_wait3A_123] : memref<64x16384xf32, #tpu.memory_space<hbm>> -> memref<1x2048xf32, #tpu.memory_space<hbm>>
      %dma_wait3A_125 = tpu.memref_squeeze %dma_wait3A_124 : memref<1x2048xf32, #tpu.memory_space<hbm>> -> memref<2048xf32, #tpu.memory_space<hbm>>
      tpu.wait_dma2 semaphore(%run_scoped3A : memref<!tpu.dma_semaphore, #tpu.memory_space<semaphore_mem>>) src(%arg7 : memref<2048xf32, #tpu.memory_space<vmem>>) dst(%dma_wait3A_125 : memref<2048xf32, #tpu.memory_space<hbm>>)
      tpu.yield
    }) : () -> ()
    %add3A_58 = arith.constant 32 : i32
    %add3A_59 = arith.addi %add3A, %add3A_58 : i32
    "tpu.region"() ({
      %run_scoped3A = tpu.sem_alloc : memref<!tpu.dma_semaphore, #tpu.memory_space<semaphore_mem>>
      %dma_start3A = arith.constant 0 : i32
      %dma_start3A_116 = tpu.memref_slice %arg3[%add3A_59, %dma_start3A] : memref<64x100001xf32, #tpu.memory_space<hbm>> -> memref<1x100001xf32, #tpu.memory_space<hbm>>
      %dma_start3A_117 = tpu.memref_squeeze %dma_start3A_116 : memref<1x100001xf32, #tpu.memory_space<hbm>> -> memref<100001xf32, #tpu.memory_space<hbm>>
      %dma_start3A_118 = arith.constant 0 : i32
      %dma_start3A_119 = tpu.memref_slice %arg3[%add3A_59, %dma_start3A_118] : memref<64x100001xf32, #tpu.memory_space<hbm>> -> memref<1x100001xf32, #tpu.memory_space<hbm>>
      %dma_start3A_120 = tpu.memref_squeeze %dma_start3A_119 : memref<1x100001xf32, #tpu.memory_space<hbm>> -> memref<100001xf32, #tpu.memory_space<hbm>>
      tpu.enqueue_dma source(%dma_start3A_120 : memref<100001xf32, #tpu.memory_space<hbm>>) target(%arg5 : memref<100001xf32, #tpu.memory_space<vmem>>) target_semaphore(%run_scoped3A : memref<!tpu.dma_semaphore, #tpu.memory_space<semaphore_mem>>)
      %dma_wait3A = arith.constant 0 : i32
      %dma_wait3A_121 = tpu.memref_slice %arg3[%add3A_59, %dma_wait3A] : memref<64x100001xf32, #tpu.memory_space<hbm>> -> memref<1x100001xf32, #tpu.memory_space<hbm>>
      %dma_wait3A_122 = tpu.memref_squeeze %dma_wait3A_121 : memref<1x100001xf32, #tpu.memory_space<hbm>> -> memref<100001xf32, #tpu.memory_space<hbm>>
      %dma_wait3A_123 = arith.constant 0 : i32
      %dma_wait3A_124 = tpu.memref_slice %arg3[%add3A_59, %dma_wait3A_123] : memref<64x100001xf32, #tpu.memory_space<hbm>> -> memref<1x100001xf32, #tpu.memory_space<hbm>>
      %dma_wait3A_125 = tpu.memref_squeeze %dma_wait3A_124 : memref<1x100001xf32, #tpu.memory_space<hbm>> -> memref<100001xf32, #tpu.memory_space<hbm>>
      tpu.wait_dma2 semaphore(%run_scoped3A : memref<!tpu.dma_semaphore, #tpu.memory_space<semaphore_mem>>) src(%dma_wait3A_125 : memref<100001xf32, #tpu.memory_space<hbm>>) dst(%arg5 : memref<100001xf32, #tpu.memory_space<vmem>>)
      tpu.yield
    }) : () -> ()
    "tpu.region"() ({
      %run_scoped3A = tpu.sem_alloc : memref<!tpu.dma_semaphore, #tpu.memory_space<semaphore_mem>>
      %dma_start3A = arith.constant 0 : i32
      %dma_start3A_116 = tpu.memref_slice %arg2[%dma_start3A] : memref<16384xi32, #tpu.memory_space<hbm>> -> memref<2048xi32, #tpu.memory_space<hbm>>
      %dma_start3A_117 = arith.constant 0 : i32
      %dma_start3A_118 = tpu.memref_slice %arg2[%dma_start3A_117] : memref<16384xi32, #tpu.memory_space<hbm>> -> memref<2048xi32, #tpu.memory_space<hbm>>
      tpu.enqueue_dma source(%dma_start3A_118 : memref<2048xi32, #tpu.memory_space<hbm>>) target(%arg6 : memref<2048xi32, #tpu.memory_space<vmem>>) target_semaphore(%run_scoped3A : memref<!tpu.dma_semaphore, #tpu.memory_space<semaphore_mem>>)
      %dma_wait3A = arith.constant 0 : i32
      %dma_wait3A_119 = tpu.memref_slice %arg2[%dma_wait3A] : memref<16384xi32, #tpu.memory_space<hbm>> -> memref<2048xi32, #tpu.memory_space<hbm>>
      %dma_wait3A_120 = arith.constant 0 : i32
      %dma_wait3A_121 = tpu.memref_slice %arg2[%dma_wait3A_120] : memref<16384xi32, #tpu.memory_space<hbm>> -> memref<2048xi32, #tpu.memory_space<hbm>>
      tpu.wait_dma2 semaphore(%run_scoped3A : memref<!tpu.dma_semaphore, #tpu.memory_space<semaphore_mem>>) src(%dma_wait3A_121 : memref<2048xi32, #tpu.memory_space<hbm>>) dst(%arg6 : memref<2048xi32, #tpu.memory_space<vmem>>)
      tpu.yield
    }) : () -> ()
    %scan3A_60 = arith.constant 0 : i32
    %scan3A_61 = arith.constant 0 : i32
    %scan3A_62 = arith.constant 128 : i32
    %scan3A_63 = arith.addi %scan3A_61, %scan3A_62 : i32
    %scan3A_64 = arith.constant 1 : i32
    %scan3A_65 = scf.for %scan3A_116 = %scan3A_61 to %scan3A_63 step %scan3A_64 iter_args(%scan3A_117 = %scan3A_60) -> (i32)  : i32 {
      %mul3A_118 = arith.constant 16 : i32
      %mul3A_119 = arith.muli %scan3A_116, %mul3A_118 : i32
      %get3A = arith.index_cast %mul3A_119 : i32 to index
      %get3A_120 = tpu.vector_load %arg6[%get3A] {strides = array<i32>} : memref<2048xi32, #tpu.memory_space<vmem>>, vector<16xi32>,
      %gather3A = tpu.vector_load_idx %arg5[%get3A_120] : memref<100001xf32, #tpu.memory_space<vmem>>[vector<16xi32>], vector<16xf32>,
      %mul3A_121 = arith.constant 16 : i32
      %mul3A_122 = arith.muli %scan3A_116, %mul3A_121 : i32
      %swap3A = arith.index_cast %mul3A_122 : i32 to index
      %swap3A_123 = tpu.vector_load %arg7[%swap3A] {strides = array<i32>} : memref<2048xf32, #tpu.memory_space<vmem>>, vector<16xf32>,
      tpu.vector_store %arg7[%swap3A], %gather3A {strides = array<i32>} : memref<2048xf32, #tpu.memory_space<vmem>>, vector<16xf32>,
      %scan3A_124 = arith.constant 0 : i32
      scf.yield %scan3A_124 : i32
    }
    %scan3A_66 = arith.constant 128 : i32
    "tpu.region"() ({
      %run_scoped3A = tpu.sem_alloc : memref<!tpu.dma_semaphore, #tpu.memory_space<semaphore_mem>>
      %dma_start3A = arith.constant 0 : i32
      %dma_start3A_116 = tpu.memref_slice %arg4[%add3A_59, %dma_start3A] : memref<64x16384xf32, #tpu.memory_space<hbm>> -> memref<1x2048xf32, #tpu.memory_space<hbm>>
      %dma_start3A_117 = tpu.memref_squeeze %dma_start3A_116 : memref<1x2048xf32, #tpu.memory_space<hbm>> -> memref<2048xf32, #tpu.memory_space<hbm>>
      %dma_start3A_118 = arith.constant 0 : i32
      %dma_start3A_119 = tpu.memref_slice %arg4[%add3A_59, %dma_start3A_118] : memref<64x16384xf32, #tpu.memory_space<hbm>> -> memref<1x2048xf32, #tpu.memory_space<hbm>>
      %dma_start3A_120 = tpu.memref_squeeze %dma_start3A_119 : memref<1x2048xf32, #tpu.memory_space<hbm>> -> memref<2048xf32, #tpu.memory_space<hbm>>
      tpu.enqueue_dma source(%arg7 : memref<2048xf32, #tpu.memory_space<vmem>>) target(%dma_start3A_120 : memref<2048xf32, #tpu.memory_space<hbm>>) target_semaphore(%run_scoped3A : memref<!tpu.dma_semaphore, #tpu.memory_space<semaphore_mem>>)
      %dma_wait3A = arith.constant 0 : i32
      %dma_wait3A_121 = tpu.memref_slice %arg4[%add3A_59, %dma_wait3A] : memref<64x16384xf32, #tpu.memory_space<hbm>> -> memref<1x2048xf32, #tpu.memory_space<hbm>>
      %dma_wait3A_122 = tpu.memref_squeeze %dma_wait3A_121 : memref<1x2048xf32, #tpu.memory_space<hbm>> -> memref<2048xf32, #tpu.memory_space<hbm>>
      %dma_wait3A_123 = arith.constant 0 : i32
      %dma_wait3A_124 = tpu.memref_slice %arg4[%add3A_59, %dma_wait3A_123] : memref<64x16384xf32, #tpu.memory_space<hbm>> -> memref<1x2048xf32, #tpu.memory_space<hbm>>
      %dma_wait3A_125 = tpu.memref_squeeze %dma_wait3A_124 : memref<1x2048xf32, #tpu.memory_space<hbm>> -> memref<2048xf32, #tpu.memory_space<hbm>>
      tpu.wait_dma2 semaphore(%run_scoped3A : memref<!tpu.dma_semaphore, #tpu.memory_space<semaphore_mem>>) src(%arg7 : memref<2048xf32, #tpu.memory_space<vmem>>) dst(%dma_wait3A_125 : memref<2048xf32, #tpu.memory_space<hbm>>)
      tpu.yield
    }) : () -> ()
    "tpu.region"() ({
      %run_scoped3A = tpu.sem_alloc : memref<!tpu.dma_semaphore, #tpu.memory_space<semaphore_mem>>
      %dma_start3A = arith.constant 2048 : i32
      %dma_start3A_116 = tpu.memref_slice %arg2[%dma_start3A] : memref<16384xi32, #tpu.memory_space<hbm>> -> memref<2048xi32, #tpu.memory_space<hbm>>
      %dma_start3A_117 = arith.constant 2048 : i32
      %dma_start3A_118 = tpu.memref_slice %arg2[%dma_start3A_117] : memref<16384xi32, #tpu.memory_space<hbm>> -> memref<2048xi32, #tpu.memory_space<hbm>>
      tpu.enqueue_dma source(%dma_start3A_118 : memref<2048xi32, #tpu.memory_space<hbm>>) target(%arg6 : memref<2048xi32, #tpu.memory_space<vmem>>) target_semaphore(%run_scoped3A : memref<!tpu.dma_semaphore, #tpu.memory_space<semaphore_mem>>)
      %dma_wait3A = arith.constant 2048 : i32
      %dma_wait3A_119 = tpu.memref_slice %arg2[%dma_wait3A] : memref<16384xi32, #tpu.memory_space<hbm>> -> memref<2048xi32, #tpu.memory_space<hbm>>
      %dma_wait3A_120 = arith.constant 2048 : i32
      %dma_wait3A_121 = tpu.memref_slice %arg2[%dma_wait3A_120] : memref<16384xi32, #tpu.memory_space<hbm>> -> memref<2048xi32, #tpu.memory_space<hbm>>
      tpu.wait_dma2 semaphore(%run_scoped3A : memref<!tpu.dma_semaphore, #tpu.memory_space<semaphore_mem>>) src(%dma_wait3A_121 : memref<2048xi32, #tpu.memory_space<hbm>>) dst(%arg6 : memref<2048xi32, #tpu.memory_space<vmem>>)
      tpu.yield
    }) : () -> ()
    %scan3A_67 = arith.constant 0 : i32
    %scan3A_68 = arith.constant 0 : i32
    %scan3A_69 = arith.constant 128 : i32
    %scan3A_70 = arith.addi %scan3A_68, %scan3A_69 : i32
    %scan3A_71 = arith.constant 1 : i32
    %scan3A_72 = scf.for %scan3A_116 = %scan3A_68 to %scan3A_70 step %scan3A_71 iter_args(%scan3A_117 = %scan3A_67) -> (i32)  : i32 {
      %mul3A_118 = arith.constant 16 : i32
      %mul3A_119 = arith.muli %scan3A_116, %mul3A_118 : i32
      %get3A = arith.index_cast %mul3A_119 : i32 to index
      %get3A_120 = tpu.vector_load %arg6[%get3A] {strides = array<i32>} : memref<2048xi32, #tpu.memory_space<vmem>>, vector<16xi32>,
      %gather3A = tpu.vector_load_idx %arg5[%get3A_120] : memref<100001xf32, #tpu.memory_space<vmem>>[vector<16xi32>], vector<16xf32>,
      %mul3A_121 = arith.constant 16 : i32
      %mul3A_122 = arith.muli %scan3A_116, %mul3A_121 : i32
      %swap3A = arith.index_cast %mul3A_122 : i32 to index
      %swap3A_123 = tpu.vector_load %arg7[%swap3A] {strides = array<i32>} : memref<2048xf32, #tpu.memory_space<vmem>>, vector<16xf32>,
      tpu.vector_store %arg7[%swap3A], %gather3A {strides = array<i32>} : memref<2048xf32, #tpu.memory_space<vmem>>, vector<16xf32>,
      %scan3A_124 = arith.constant 0 : i32
      scf.yield %scan3A_124 : i32
    }
    %scan3A_73 = arith.constant 128 : i32
    "tpu.region"() ({
      %run_scoped3A = tpu.sem_alloc : memref<!tpu.dma_semaphore, #tpu.memory_space<semaphore_mem>>
      %dma_start3A = arith.constant 2048 : i32
      %dma_start3A_116 = tpu.memref_slice %arg4[%add3A_59, %dma_start3A] : memref<64x16384xf32, #tpu.memory_space<hbm>> -> memref<1x2048xf32, #tpu.memory_space<hbm>>
      %dma_start3A_117 = tpu.memref_squeeze %dma_start3A_116 : memref<1x2048xf32, #tpu.memory_space<hbm>> -> memref<2048xf32, #tpu.memory_space<hbm>>
      %dma_start3A_118 = arith.constant 2048 : i32
      %dma_start3A_119 = tpu.memref_slice %arg4[%add3A_59, %dma_start3A_118] : memref<64x16384xf32, #tpu.memory_space<hbm>> -> memref<1x2048xf32, #tpu.memory_space<hbm>>
      %dma_start3A_120 = tpu.memref_squeeze %dma_start3A_119 : memref<1x2048xf32, #tpu.memory_space<hbm>> -> memref<2048xf32, #tpu.memory_space<hbm>>
      tpu.enqueue_dma source(%arg7 : memref<2048xf32, #tpu.memory_space<vmem>>) target(%dma_start3A_120 : memref<2048xf32, #tpu.memory_space<hbm>>) target_semaphore(%run_scoped3A : memref<!tpu.dma_semaphore, #tpu.memory_space<semaphore_mem>>)
      %dma_wait3A = arith.constant 2048 : i32
      %dma_wait3A_121 = tpu.memref_slice %arg4[%add3A_59, %dma_wait3A] : memref<64x16384xf32, #tpu.memory_space<hbm>> -> memref<1x2048xf32, #tpu.memory_space<hbm>>
      %dma_wait3A_122 = tpu.memref_squeeze %dma_wait3A_121 : memref<1x2048xf32, #tpu.memory_space<hbm>> -> memref<2048xf32, #tpu.memory_space<hbm>>
      %dma_wait3A_123 = arith.constant 2048 : i32
      %dma_wait3A_124 = tpu.memref_slice %arg4[%add3A_59, %dma_wait3A_123] : memref<64x16384xf32, #tpu.memory_space<hbm>> -> memref<1x2048xf32, #tpu.memory_space<hbm>>
      %dma_wait3A_125 = tpu.memref_squeeze %dma_wait3A_124 : memref<1x2048xf32, #tpu.memory_space<hbm>> -> memref<2048xf32, #tpu.memory_space<hbm>>
      tpu.wait_dma2 semaphore(%run_scoped3A : memref<!tpu.dma_semaphore, #tpu.memory_space<semaphore_mem>>) src(%arg7 : memref<2048xf32, #tpu.memory_space<vmem>>) dst(%dma_wait3A_125 : memref<2048xf32, #tpu.memory_space<hbm>>)
      tpu.yield
    }) : () -> ()
    "tpu.region"() ({
      %run_scoped3A = tpu.sem_alloc : memref<!tpu.dma_semaphore, #tpu.memory_space<semaphore_mem>>
      %dma_start3A = arith.constant 4096 : i32
      %dma_start3A_116 = tpu.memref_slice %arg2[%dma_start3A] : memref<16384xi32, #tpu.memory_space<hbm>> -> memref<2048xi32, #tpu.memory_space<hbm>>
      %dma_start3A_117 = arith.constant 4096 : i32
      %dma_start3A_118 = tpu.memref_slice %arg2[%dma_start3A_117] : memref<16384xi32, #tpu.memory_space<hbm>> -> memref<2048xi32, #tpu.memory_space<hbm>>
      tpu.enqueue_dma source(%dma_start3A_118 : memref<2048xi32, #tpu.memory_space<hbm>>) target(%arg6 : memref<2048xi32, #tpu.memory_space<vmem>>) target_semaphore(%run_scoped3A : memref<!tpu.dma_semaphore, #tpu.memory_space<semaphore_mem>>)
      %dma_wait3A = arith.constant 4096 : i32
      %dma_wait3A_119 = tpu.memref_slice %arg2[%dma_wait3A] : memref<16384xi32, #tpu.memory_space<hbm>> -> memref<2048xi32, #tpu.memory_space<hbm>>
      %dma_wait3A_120 = arith.constant 4096 : i32
      %dma_wait3A_121 = tpu.memref_slice %arg2[%dma_wait3A_120] : memref<16384xi32, #tpu.memory_space<hbm>> -> memref<2048xi32, #tpu.memory_space<hbm>>
      tpu.wait_dma2 semaphore(%run_scoped3A : memref<!tpu.dma_semaphore, #tpu.memory_space<semaphore_mem>>) src(%dma_wait3A_121 : memref<2048xi32, #tpu.memory_space<hbm>>) dst(%arg6 : memref<2048xi32, #tpu.memory_space<vmem>>)
      tpu.yield
    }) : () -> ()
    %scan3A_74 = arith.constant 0 : i32
    %scan3A_75 = arith.constant 0 : i32
    %scan3A_76 = arith.constant 128 : i32
    %scan3A_77 = arith.addi %scan3A_75, %scan3A_76 : i32
    %scan3A_78 = arith.constant 1 : i32
    %scan3A_79 = scf.for %scan3A_116 = %scan3A_75 to %scan3A_77 step %scan3A_78 iter_args(%scan3A_117 = %scan3A_74) -> (i32)  : i32 {
      %mul3A_118 = arith.constant 16 : i32
      %mul3A_119 = arith.muli %scan3A_116, %mul3A_118 : i32
      %get3A = arith.index_cast %mul3A_119 : i32 to index
      %get3A_120 = tpu.vector_load %arg6[%get3A] {strides = array<i32>} : memref<2048xi32, #tpu.memory_space<vmem>>, vector<16xi32>,
      %gather3A = tpu.vector_load_idx %arg5[%get3A_120] : memref<100001xf32, #tpu.memory_space<vmem>>[vector<16xi32>], vector<16xf32>,
      %mul3A_121 = arith.constant 16 : i32
      %mul3A_122 = arith.muli %scan3A_116, %mul3A_121 : i32
      %swap3A = arith.index_cast %mul3A_122 : i32 to index
      %swap3A_123 = tpu.vector_load %arg7[%swap3A] {strides = array<i32>} : memref<2048xf32, #tpu.memory_space<vmem>>, vector<16xf32>,
      tpu.vector_store %arg7[%swap3A], %gather3A {strides = array<i32>} : memref<2048xf32, #tpu.memory_space<vmem>>, vector<16xf32>,
      %scan3A_124 = arith.constant 0 : i32
      scf.yield %scan3A_124 : i32
    }
    %scan3A_80 = arith.constant 128 : i32
    "tpu.region"() ({
      %run_scoped3A = tpu.sem_alloc : memref<!tpu.dma_semaphore, #tpu.memory_space<semaphore_mem>>
      %dma_start3A = arith.constant 4096 : i32
      %dma_start3A_116 = tpu.memref_slice %arg4[%add3A_59, %dma_start3A] : memref<64x16384xf32, #tpu.memory_space<hbm>> -> memref<1x2048xf32, #tpu.memory_space<hbm>>
      %dma_start3A_117 = tpu.memref_squeeze %dma_start3A_116 : memref<1x2048xf32, #tpu.memory_space<hbm>> -> memref<2048xf32, #tpu.memory_space<hbm>>
      %dma_start3A_118 = arith.constant 4096 : i32
      %dma_start3A_119 = tpu.memref_slice %arg4[%add3A_59, %dma_start3A_118] : memref<64x16384xf32, #tpu.memory_space<hbm>> -> memref<1x2048xf32, #tpu.memory_space<hbm>>
      %dma_start3A_120 = tpu.memref_squeeze %dma_start3A_119 : memref<1x2048xf32, #tpu.memory_space<hbm>> -> memref<2048xf32, #tpu.memory_space<hbm>>
      tpu.enqueue_dma source(%arg7 : memref<2048xf32, #tpu.memory_space<vmem>>) target(%dma_start3A_120 : memref<2048xf32, #tpu.memory_space<hbm>>) target_semaphore(%run_scoped3A : memref<!tpu.dma_semaphore, #tpu.memory_space<semaphore_mem>>)
      %dma_wait3A = arith.constant 4096 : i32
      %dma_wait3A_121 = tpu.memref_slice %arg4[%add3A_59, %dma_wait3A] : memref<64x16384xf32, #tpu.memory_space<hbm>> -> memref<1x2048xf32, #tpu.memory_space<hbm>>
      %dma_wait3A_122 = tpu.memref_squeeze %dma_wait3A_121 : memref<1x2048xf32, #tpu.memory_space<hbm>> -> memref<2048xf32, #tpu.memory_space<hbm>>
      %dma_wait3A_123 = arith.constant 4096 : i32
      %dma_wait3A_124 = tpu.memref_slice %arg4[%add3A_59, %dma_wait3A_123] : memref<64x16384xf32, #tpu.memory_space<hbm>> -> memref<1x2048xf32, #tpu.memory_space<hbm>>
      %dma_wait3A_125 = tpu.memref_squeeze %dma_wait3A_124 : memref<1x2048xf32, #tpu.memory_space<hbm>> -> memref<2048xf32, #tpu.memory_space<hbm>>
      tpu.wait_dma2 semaphore(%run_scoped3A : memref<!tpu.dma_semaphore, #tpu.memory_space<semaphore_mem>>) src(%arg7 : memref<2048xf32, #tpu.memory_space<vmem>>) dst(%dma_wait3A_125 : memref<2048xf32, #tpu.memory_space<hbm>>)
      tpu.yield
    }) : () -> ()
    "tpu.region"() ({
      %run_scoped3A = tpu.sem_alloc : memref<!tpu.dma_semaphore, #tpu.memory_space<semaphore_mem>>
      %dma_start3A = arith.constant 6144 : i32
      %dma_start3A_116 = tpu.memref_slice %arg2[%dma_start3A] : memref<16384xi32, #tpu.memory_space<hbm>> -> memref<2048xi32, #tpu.memory_space<hbm>>
      %dma_start3A_117 = arith.constant 6144 : i32
      %dma_start3A_118 = tpu.memref_slice %arg2[%dma_start3A_117] : memref<16384xi32, #tpu.memory_space<hbm>> -> memref<2048xi32, #tpu.memory_space<hbm>>
      tpu.enqueue_dma source(%dma_start3A_118 : memref<2048xi32, #tpu.memory_space<hbm>>) target(%arg6 : memref<2048xi32, #tpu.memory_space<vmem>>) target_semaphore(%run_scoped3A : memref<!tpu.dma_semaphore, #tpu.memory_space<semaphore_mem>>)
      %dma_wait3A = arith.constant 6144 : i32
      %dma_wait3A_119 = tpu.memref_slice %arg2[%dma_wait3A] : memref<16384xi32, #tpu.memory_space<hbm>> -> memref<2048xi32, #tpu.memory_space<hbm>>
      %dma_wait3A_120 = arith.constant 6144 : i32
      %dma_wait3A_121 = tpu.memref_slice %arg2[%dma_wait3A_120] : memref<16384xi32, #tpu.memory_space<hbm>> -> memref<2048xi32, #tpu.memory_space<hbm>>
      tpu.wait_dma2 semaphore(%run_scoped3A : memref<!tpu.dma_semaphore, #tpu.memory_space<semaphore_mem>>) src(%dma_wait3A_121 : memref<2048xi32, #tpu.memory_space<hbm>>) dst(%arg6 : memref<2048xi32, #tpu.memory_space<vmem>>)
      tpu.yield
    }) : () -> ()
    %scan3A_81 = arith.constant 0 : i32
    %scan3A_82 = arith.constant 0 : i32
    %scan3A_83 = arith.constant 128 : i32
    %scan3A_84 = arith.addi %scan3A_82, %scan3A_83 : i32
    %scan3A_85 = arith.constant 1 : i32
    %scan3A_86 = scf.for %scan3A_116 = %scan3A_82 to %scan3A_84 step %scan3A_85 iter_args(%scan3A_117 = %scan3A_81) -> (i32)  : i32 {
      %mul3A_118 = arith.constant 16 : i32
      %mul3A_119 = arith.muli %scan3A_116, %mul3A_118 : i32
      %get3A = arith.index_cast %mul3A_119 : i32 to index
      %get3A_120 = tpu.vector_load %arg6[%get3A] {strides = array<i32>} : memref<2048xi32, #tpu.memory_space<vmem>>, vector<16xi32>,
      %gather3A = tpu.vector_load_idx %arg5[%get3A_120] : memref<100001xf32, #tpu.memory_space<vmem>>[vector<16xi32>], vector<16xf32>,
      %mul3A_121 = arith.constant 16 : i32
      %mul3A_122 = arith.muli %scan3A_116, %mul3A_121 : i32
      %swap3A = arith.index_cast %mul3A_122 : i32 to index
      %swap3A_123 = tpu.vector_load %arg7[%swap3A] {strides = array<i32>} : memref<2048xf32, #tpu.memory_space<vmem>>, vector<16xf32>,
      tpu.vector_store %arg7[%swap3A], %gather3A {strides = array<i32>} : memref<2048xf32, #tpu.memory_space<vmem>>, vector<16xf32>,
      %scan3A_124 = arith.constant 0 : i32
      scf.yield %scan3A_124 : i32
    }
    %scan3A_87 = arith.constant 128 : i32
    "tpu.region"() ({
      %run_scoped3A = tpu.sem_alloc : memref<!tpu.dma_semaphore, #tpu.memory_space<semaphore_mem>>
      %dma_start3A = arith.constant 6144 : i32
      %dma_start3A_116 = tpu.memref_slice %arg4[%add3A_59, %dma_start3A] : memref<64x16384xf32, #tpu.memory_space<hbm>> -> memref<1x2048xf32, #tpu.memory_space<hbm>>
      %dma_start3A_117 = tpu.memref_squeeze %dma_start3A_116 : memref<1x2048xf32, #tpu.memory_space<hbm>> -> memref<2048xf32, #tpu.memory_space<hbm>>
      %dma_start3A_118 = arith.constant 6144 : i32
      %dma_start3A_119 = tpu.memref_slice %arg4[%add3A_59, %dma_start3A_118] : memref<64x16384xf32, #tpu.memory_space<hbm>> -> memref<1x2048xf32, #tpu.memory_space<hbm>>
      %dma_start3A_120 = tpu.memref_squeeze %dma_start3A_119 : memref<1x2048xf32, #tpu.memory_space<hbm>> -> memref<2048xf32, #tpu.memory_space<hbm>>
      tpu.enqueue_dma source(%arg7 : memref<2048xf32, #tpu.memory_space<vmem>>) target(%dma_start3A_120 : memref<2048xf32, #tpu.memory_space<hbm>>) target_semaphore(%run_scoped3A : memref<!tpu.dma_semaphore, #tpu.memory_space<semaphore_mem>>)
      %dma_wait3A = arith.constant 6144 : i32
      %dma_wait3A_121 = tpu.memref_slice %arg4[%add3A_59, %dma_wait3A] : memref<64x16384xf32, #tpu.memory_space<hbm>> -> memref<1x2048xf32, #tpu.memory_space<hbm>>
      %dma_wait3A_122 = tpu.memref_squeeze %dma_wait3A_121 : memref<1x2048xf32, #tpu.memory_space<hbm>> -> memref<2048xf32, #tpu.memory_space<hbm>>
      %dma_wait3A_123 = arith.constant 6144 : i32
      %dma_wait3A_124 = tpu.memref_slice %arg4[%add3A_59, %dma_wait3A_123] : memref<64x16384xf32, #tpu.memory_space<hbm>> -> memref<1x2048xf32, #tpu.memory_space<hbm>>
      %dma_wait3A_125 = tpu.memref_squeeze %dma_wait3A_124 : memref<1x2048xf32, #tpu.memory_space<hbm>> -> memref<2048xf32, #tpu.memory_space<hbm>>
      tpu.wait_dma2 semaphore(%run_scoped3A : memref<!tpu.dma_semaphore, #tpu.memory_space<semaphore_mem>>) src(%arg7 : memref<2048xf32, #tpu.memory_space<vmem>>) dst(%dma_wait3A_125 : memref<2048xf32, #tpu.memory_space<hbm>>)
      tpu.yield
    }) : () -> ()
    "tpu.region"() ({
      %run_scoped3A = tpu.sem_alloc : memref<!tpu.dma_semaphore, #tpu.memory_space<semaphore_mem>>
      %dma_start3A = arith.constant 8192 : i32
      %dma_start3A_116 = tpu.memref_slice %arg2[%dma_start3A] : memref<16384xi32, #tpu.memory_space<hbm>> -> memref<2048xi32, #tpu.memory_space<hbm>>
      %dma_start3A_117 = arith.constant 8192 : i32
      %dma_start3A_118 = tpu.memref_slice %arg2[%dma_start3A_117] : memref<16384xi32, #tpu.memory_space<hbm>> -> memref<2048xi32, #tpu.memory_space<hbm>>
      tpu.enqueue_dma source(%dma_start3A_118 : memref<2048xi32, #tpu.memory_space<hbm>>) target(%arg6 : memref<2048xi32, #tpu.memory_space<vmem>>) target_semaphore(%run_scoped3A : memref<!tpu.dma_semaphore, #tpu.memory_space<semaphore_mem>>)
      %dma_wait3A = arith.constant 8192 : i32
      %dma_wait3A_119 = tpu.memref_slice %arg2[%dma_wait3A] : memref<16384xi32, #tpu.memory_space<hbm>> -> memref<2048xi32, #tpu.memory_space<hbm>>
      %dma_wait3A_120 = arith.constant 8192 : i32
      %dma_wait3A_121 = tpu.memref_slice %arg2[%dma_wait3A_120] : memref<16384xi32, #tpu.memory_space<hbm>> -> memref<2048xi32, #tpu.memory_space<hbm>>
      tpu.wait_dma2 semaphore(%run_scoped3A : memref<!tpu.dma_semaphore, #tpu.memory_space<semaphore_mem>>) src(%dma_wait3A_121 : memref<2048xi32, #tpu.memory_space<hbm>>) dst(%arg6 : memref<2048xi32, #tpu.memory_space<vmem>>)
      tpu.yield
    }) : () -> ()
    %scan3A_88 = arith.constant 0 : i32
    %scan3A_89 = arith.constant 0 : i32
    %scan3A_90 = arith.constant 128 : i32
    %scan3A_91 = arith.addi %scan3A_89, %scan3A_90 : i32
    %scan3A_92 = arith.constant 1 : i32
    %scan3A_93 = scf.for %scan3A_116 = %scan3A_89 to %scan3A_91 step %scan3A_92 iter_args(%scan3A_117 = %scan3A_88) -> (i32)  : i32 {
      %mul3A_118 = arith.constant 16 : i32
      %mul3A_119 = arith.muli %scan3A_116, %mul3A_118 : i32
      %get3A = arith.index_cast %mul3A_119 : i32 to index
      %get3A_120 = tpu.vector_load %arg6[%get3A] {strides = array<i32>} : memref<2048xi32, #tpu.memory_space<vmem>>, vector<16xi32>,
      %gather3A = tpu.vector_load_idx %arg5[%get3A_120] : memref<100001xf32, #tpu.memory_space<vmem>>[vector<16xi32>], vector<16xf32>,
      %mul3A_121 = arith.constant 16 : i32
      %mul3A_122 = arith.muli %scan3A_116, %mul3A_121 : i32
      %swap3A = arith.index_cast %mul3A_122 : i32 to index
      %swap3A_123 = tpu.vector_load %arg7[%swap3A] {strides = array<i32>} : memref<2048xf32, #tpu.memory_space<vmem>>, vector<16xf32>,
      tpu.vector_store %arg7[%swap3A], %gather3A {strides = array<i32>} : memref<2048xf32, #tpu.memory_space<vmem>>, vector<16xf32>,
      %scan3A_124 = arith.constant 0 : i32
      scf.yield %scan3A_124 : i32
    }
    %scan3A_94 = arith.constant 128 : i32
    "tpu.region"() ({
      %run_scoped3A = tpu.sem_alloc : memref<!tpu.dma_semaphore, #tpu.memory_space<semaphore_mem>>
      %dma_start3A = arith.constant 8192 : i32
      %dma_start3A_116 = tpu.memref_slice %arg4[%add3A_59, %dma_start3A] : memref<64x16384xf32, #tpu.memory_space<hbm>> -> memref<1x2048xf32, #tpu.memory_space<hbm>>
      %dma_start3A_117 = tpu.memref_squeeze %dma_start3A_116 : memref<1x2048xf32, #tpu.memory_space<hbm>> -> memref<2048xf32, #tpu.memory_space<hbm>>
      %dma_start3A_118 = arith.constant 8192 : i32
      %dma_start3A_119 = tpu.memref_slice %arg4[%add3A_59, %dma_start3A_118] : memref<64x16384xf32, #tpu.memory_space<hbm>> -> memref<1x2048xf32, #tpu.memory_space<hbm>>
      %dma_start3A_120 = tpu.memref_squeeze %dma_start3A_119 : memref<1x2048xf32, #tpu.memory_space<hbm>> -> memref<2048xf32, #tpu.memory_space<hbm>>
      tpu.enqueue_dma source(%arg7 : memref<2048xf32, #tpu.memory_space<vmem>>) target(%dma_start3A_120 : memref<2048xf32, #tpu.memory_space<hbm>>) target_semaphore(%run_scoped3A : memref<!tpu.dma_semaphore, #tpu.memory_space<semaphore_mem>>)
      %dma_wait3A = arith.constant 8192 : i32
      %dma_wait3A_121 = tpu.memref_slice %arg4[%add3A_59, %dma_wait3A] : memref<64x16384xf32, #tpu.memory_space<hbm>> -> memref<1x2048xf32, #tpu.memory_space<hbm>>
      %dma_wait3A_122 = tpu.memref_squeeze %dma_wait3A_121 : memref<1x2048xf32, #tpu.memory_space<hbm>> -> memref<2048xf32, #tpu.memory_space<hbm>>
      %dma_wait3A_123 = arith.constant 8192 : i32
      %dma_wait3A_124 = tpu.memref_slice %arg4[%add3A_59, %dma_wait3A_123] : memref<64x16384xf32, #tpu.memory_space<hbm>> -> memref<1x2048xf32, #tpu.memory_space<hbm>>
      %dma_wait3A_125 = tpu.memref_squeeze %dma_wait3A_124 : memref<1x2048xf32, #tpu.memory_space<hbm>> -> memref<2048xf32, #tpu.memory_space<hbm>>
      tpu.wait_dma2 semaphore(%run_scoped3A : memref<!tpu.dma_semaphore, #tpu.memory_space<semaphore_mem>>) src(%arg7 : memref<2048xf32, #tpu.memory_space<vmem>>) dst(%dma_wait3A_125 : memref<2048xf32, #tpu.memory_space<hbm>>)
      tpu.yield
    }) : () -> ()
    "tpu.region"() ({
      %run_scoped3A = tpu.sem_alloc : memref<!tpu.dma_semaphore, #tpu.memory_space<semaphore_mem>>
      %dma_start3A = arith.constant 10240 : i32
      %dma_start3A_116 = tpu.memref_slice %arg2[%dma_start3A] : memref<16384xi32, #tpu.memory_space<hbm>> -> memref<2048xi32, #tpu.memory_space<hbm>>
      %dma_start3A_117 = arith.constant 10240 : i32
      %dma_start3A_118 = tpu.memref_slice %arg2[%dma_start3A_117] : memref<16384xi32, #tpu.memory_space<hbm>> -> memref<2048xi32, #tpu.memory_space<hbm>>
      tpu.enqueue_dma source(%dma_start3A_118 : memref<2048xi32, #tpu.memory_space<hbm>>) target(%arg6 : memref<2048xi32, #tpu.memory_space<vmem>>) target_semaphore(%run_scoped3A : memref<!tpu.dma_semaphore, #tpu.memory_space<semaphore_mem>>)
      %dma_wait3A = arith.constant 10240 : i32
      %dma_wait3A_119 = tpu.memref_slice %arg2[%dma_wait3A] : memref<16384xi32, #tpu.memory_space<hbm>> -> memref<2048xi32, #tpu.memory_space<hbm>>
      %dma_wait3A_120 = arith.constant 10240 : i32
      %dma_wait3A_121 = tpu.memref_slice %arg2[%dma_wait3A_120] : memref<16384xi32, #tpu.memory_space<hbm>> -> memref<2048xi32, #tpu.memory_space<hbm>>
      tpu.wait_dma2 semaphore(%run_scoped3A : memref<!tpu.dma_semaphore, #tpu.memory_space<semaphore_mem>>) src(%dma_wait3A_121 : memref<2048xi32, #tpu.memory_space<hbm>>) dst(%arg6 : memref<2048xi32, #tpu.memory_space<vmem>>)
      tpu.yield
    }) : () -> ()
    %scan3A_95 = arith.constant 0 : i32
    %scan3A_96 = arith.constant 0 : i32
    %scan3A_97 = arith.constant 128 : i32
    %scan3A_98 = arith.addi %scan3A_96, %scan3A_97 : i32
    %scan3A_99 = arith.constant 1 : i32
    %scan3A_100 = scf.for %scan3A_116 = %scan3A_96 to %scan3A_98 step %scan3A_99 iter_args(%scan3A_117 = %scan3A_95) -> (i32)  : i32 {
      %mul3A_118 = arith.constant 16 : i32
      %mul3A_119 = arith.muli %scan3A_116, %mul3A_118 : i32
      %get3A = arith.index_cast %mul3A_119 : i32 to index
      %get3A_120 = tpu.vector_load %arg6[%get3A] {strides = array<i32>} : memref<2048xi32, #tpu.memory_space<vmem>>, vector<16xi32>,
      %gather3A = tpu.vector_load_idx %arg5[%get3A_120] : memref<100001xf32, #tpu.memory_space<vmem>>[vector<16xi32>], vector<16xf32>,
      %mul3A_121 = arith.constant 16 : i32
      %mul3A_122 = arith.muli %scan3A_116, %mul3A_121 : i32
      %swap3A = arith.index_cast %mul3A_122 : i32 to index
      %swap3A_123 = tpu.vector_load %arg7[%swap3A] {strides = array<i32>} : memref<2048xf32, #tpu.memory_space<vmem>>, vector<16xf32>,
      tpu.vector_store %arg7[%swap3A], %gather3A {strides = array<i32>} : memref<2048xf32, #tpu.memory_space<vmem>>, vector<16xf32>,
      %scan3A_124 = arith.constant 0 : i32
      scf.yield %scan3A_124 : i32
    }
    %scan3A_101 = arith.constant 128 : i32
    "tpu.region"() ({
      %run_scoped3A = tpu.sem_alloc : memref<!tpu.dma_semaphore, #tpu.memory_space<semaphore_mem>>
      %dma_start3A = arith.constant 10240 : i32
      %dma_start3A_116 = tpu.memref_slice %arg4[%add3A_59, %dma_start3A] : memref<64x16384xf32, #tpu.memory_space<hbm>> -> memref<1x2048xf32, #tpu.memory_space<hbm>>
      %dma_start3A_117 = tpu.memref_squeeze %dma_start3A_116 : memref<1x2048xf32, #tpu.memory_space<hbm>> -> memref<2048xf32, #tpu.memory_space<hbm>>
      %dma_start3A_118 = arith.constant 10240 : i32
      %dma_start3A_119 = tpu.memref_slice %arg4[%add3A_59, %dma_start3A_118] : memref<64x16384xf32, #tpu.memory_space<hbm>> -> memref<1x2048xf32, #tpu.memory_space<hbm>>
      %dma_start3A_120 = tpu.memref_squeeze %dma_start3A_119 : memref<1x2048xf32, #tpu.memory_space<hbm>> -> memref<2048xf32, #tpu.memory_space<hbm>>
      tpu.enqueue_dma source(%arg7 : memref<2048xf32, #tpu.memory_space<vmem>>) target(%dma_start3A_120 : memref<2048xf32, #tpu.memory_space<hbm>>) target_semaphore(%run_scoped3A : memref<!tpu.dma_semaphore, #tpu.memory_space<semaphore_mem>>)
      %dma_wait3A = arith.constant 10240 : i32
      %dma_wait3A_121 = tpu.memref_slice %arg4[%add3A_59, %dma_wait3A] : memref<64x16384xf32, #tpu.memory_space<hbm>> -> memref<1x2048xf32, #tpu.memory_space<hbm>>
      %dma_wait3A_122 = tpu.memref_squeeze %dma_wait3A_121 : memref<1x2048xf32, #tpu.memory_space<hbm>> -> memref<2048xf32, #tpu.memory_space<hbm>>
      %dma_wait3A_123 = arith.constant 10240 : i32
      %dma_wait3A_124 = tpu.memref_slice %arg4[%add3A_59, %dma_wait3A_123] : memref<64x16384xf32, #tpu.memory_space<hbm>> -> memref<1x2048xf32, #tpu.memory_space<hbm>>
      %dma_wait3A_125 = tpu.memref_squeeze %dma_wait3A_124 : memref<1x2048xf32, #tpu.memory_space<hbm>> -> memref<2048xf32, #tpu.memory_space<hbm>>
      tpu.wait_dma2 semaphore(%run_scoped3A : memref<!tpu.dma_semaphore, #tpu.memory_space<semaphore_mem>>) src(%arg7 : memref<2048xf32, #tpu.memory_space<vmem>>) dst(%dma_wait3A_125 : memref<2048xf32, #tpu.memory_space<hbm>>)
      tpu.yield
    }) : () -> ()
    "tpu.region"() ({
      %run_scoped3A = tpu.sem_alloc : memref<!tpu.dma_semaphore, #tpu.memory_space<semaphore_mem>>
      %dma_start3A = arith.constant 12288 : i32
      %dma_start3A_116 = tpu.memref_slice %arg2[%dma_start3A] : memref<16384xi32, #tpu.memory_space<hbm>> -> memref<2048xi32, #tpu.memory_space<hbm>>
      %dma_start3A_117 = arith.constant 12288 : i32
      %dma_start3A_118 = tpu.memref_slice %arg2[%dma_start3A_117] : memref<16384xi32, #tpu.memory_space<hbm>> -> memref<2048xi32, #tpu.memory_space<hbm>>
      tpu.enqueue_dma source(%dma_start3A_118 : memref<2048xi32, #tpu.memory_space<hbm>>) target(%arg6 : memref<2048xi32, #tpu.memory_space<vmem>>) target_semaphore(%run_scoped3A : memref<!tpu.dma_semaphore, #tpu.memory_space<semaphore_mem>>)
      %dma_wait3A = arith.constant 12288 : i32
      %dma_wait3A_119 = tpu.memref_slice %arg2[%dma_wait3A] : memref<16384xi32, #tpu.memory_space<hbm>> -> memref<2048xi32, #tpu.memory_space<hbm>>
      %dma_wait3A_120 = arith.constant 12288 : i32
      %dma_wait3A_121 = tpu.memref_slice %arg2[%dma_wait3A_120] : memref<16384xi32, #tpu.memory_space<hbm>> -> memref<2048xi32, #tpu.memory_space<hbm>>
      tpu.wait_dma2 semaphore(%run_scoped3A : memref<!tpu.dma_semaphore, #tpu.memory_space<semaphore_mem>>) src(%dma_wait3A_121 : memref<2048xi32, #tpu.memory_space<hbm>>) dst(%arg6 : memref<2048xi32, #tpu.memory_space<vmem>>)
      tpu.yield
    }) : () -> ()
    %scan3A_102 = arith.constant 0 : i32
    %scan3A_103 = arith.constant 0 : i32
    %scan3A_104 = arith.constant 128 : i32
    %scan3A_105 = arith.addi %scan3A_103, %scan3A_104 : i32
    %scan3A_106 = arith.constant 1 : i32
    %scan3A_107 = scf.for %scan3A_116 = %scan3A_103 to %scan3A_105 step %scan3A_106 iter_args(%scan3A_117 = %scan3A_102) -> (i32)  : i32 {
      %mul3A_118 = arith.constant 16 : i32
      %mul3A_119 = arith.muli %scan3A_116, %mul3A_118 : i32
      %get3A = arith.index_cast %mul3A_119 : i32 to index
      %get3A_120 = tpu.vector_load %arg6[%get3A] {strides = array<i32>} : memref<2048xi32, #tpu.memory_space<vmem>>, vector<16xi32>,
      %gather3A = tpu.vector_load_idx %arg5[%get3A_120] : memref<100001xf32, #tpu.memory_space<vmem>>[vector<16xi32>], vector<16xf32>,
      %mul3A_121 = arith.constant 16 : i32
      %mul3A_122 = arith.muli %scan3A_116, %mul3A_121 : i32
      %swap3A = arith.index_cast %mul3A_122 : i32 to index
      %swap3A_123 = tpu.vector_load %arg7[%swap3A] {strides = array<i32>} : memref<2048xf32, #tpu.memory_space<vmem>>, vector<16xf32>,
      tpu.vector_store %arg7[%swap3A], %gather3A {strides = array<i32>} : memref<2048xf32, #tpu.memory_space<vmem>>, vector<16xf32>,
      %scan3A_124 = arith.constant 0 : i32
      scf.yield %scan3A_124 : i32
    }
    %scan3A_108 = arith.constant 128 : i32
    "tpu.region"() ({
      %run_scoped3A = tpu.sem_alloc : memref<!tpu.dma_semaphore, #tpu.memory_space<semaphore_mem>>
      %dma_start3A = arith.constant 12288 : i32
      %dma_start3A_116 = tpu.memref_slice %arg4[%add3A_59, %dma_start3A] : memref<64x16384xf32, #tpu.memory_space<hbm>> -> memref<1x2048xf32, #tpu.memory_space<hbm>>
      %dma_start3A_117 = tpu.memref_squeeze %dma_start3A_116 : memref<1x2048xf32, #tpu.memory_space<hbm>> -> memref<2048xf32, #tpu.memory_space<hbm>>
      %dma_start3A_118 = arith.constant 12288 : i32
      %dma_start3A_119 = tpu.memref_slice %arg4[%add3A_59, %dma_start3A_118] : memref<64x16384xf32, #tpu.memory_space<hbm>> -> memref<1x2048xf32, #tpu.memory_space<hbm>>
      %dma_start3A_120 = tpu.memref_squeeze %dma_start3A_119 : memref<1x2048xf32, #tpu.memory_space<hbm>> -> memref<2048xf32, #tpu.memory_space<hbm>>
      tpu.enqueue_dma source(%arg7 : memref<2048xf32, #tpu.memory_space<vmem>>) target(%dma_start3A_120 : memref<2048xf32, #tpu.memory_space<hbm>>) target_semaphore(%run_scoped3A : memref<!tpu.dma_semaphore, #tpu.memory_space<semaphore_mem>>)
      %dma_wait3A = arith.constant 12288 : i32
      %dma_wait3A_121 = tpu.memref_slice %arg4[%add3A_59, %dma_wait3A] : memref<64x16384xf32, #tpu.memory_space<hbm>> -> memref<1x2048xf32, #tpu.memory_space<hbm>>
      %dma_wait3A_122 = tpu.memref_squeeze %dma_wait3A_121 : memref<1x2048xf32, #tpu.memory_space<hbm>> -> memref<2048xf32, #tpu.memory_space<hbm>>
      %dma_wait3A_123 = arith.constant 12288 : i32
      %dma_wait3A_124 = tpu.memref_slice %arg4[%add3A_59, %dma_wait3A_123] : memref<64x16384xf32, #tpu.memory_space<hbm>> -> memref<1x2048xf32, #tpu.memory_space<hbm>>
      %dma_wait3A_125 = tpu.memref_squeeze %dma_wait3A_124 : memref<1x2048xf32, #tpu.memory_space<hbm>> -> memref<2048xf32, #tpu.memory_space<hbm>>
      tpu.wait_dma2 semaphore(%run_scoped3A : memref<!tpu.dma_semaphore, #tpu.memory_space<semaphore_mem>>) src(%arg7 : memref<2048xf32, #tpu.memory_space<vmem>>) dst(%dma_wait3A_125 : memref<2048xf32, #tpu.memory_space<hbm>>)
      tpu.yield
    }) : () -> ()
    "tpu.region"() ({
      %run_scoped3A = tpu.sem_alloc : memref<!tpu.dma_semaphore, #tpu.memory_space<semaphore_mem>>
      %dma_start3A = arith.constant 14336 : i32
      %dma_start3A_116 = tpu.memref_slice %arg2[%dma_start3A] : memref<16384xi32, #tpu.memory_space<hbm>> -> memref<2048xi32, #tpu.memory_space<hbm>>
      %dma_start3A_117 = arith.constant 14336 : i32
      %dma_start3A_118 = tpu.memref_slice %arg2[%dma_start3A_117] : memref<16384xi32, #tpu.memory_space<hbm>> -> memref<2048xi32, #tpu.memory_space<hbm>>
      tpu.enqueue_dma source(%dma_start3A_118 : memref<2048xi32, #tpu.memory_space<hbm>>) target(%arg6 : memref<2048xi32, #tpu.memory_space<vmem>>) target_semaphore(%run_scoped3A : memref<!tpu.dma_semaphore, #tpu.memory_space<semaphore_mem>>)
      %dma_wait3A = arith.constant 14336 : i32
      %dma_wait3A_119 = tpu.memref_slice %arg2[%dma_wait3A] : memref<16384xi32, #tpu.memory_space<hbm>> -> memref<2048xi32, #tpu.memory_space<hbm>>
      %dma_wait3A_120 = arith.constant 14336 : i32
      %dma_wait3A_121 = tpu.memref_slice %arg2[%dma_wait3A_120] : memref<16384xi32, #tpu.memory_space<hbm>> -> memref<2048xi32, #tpu.memory_space<hbm>>
      tpu.wait_dma2 semaphore(%run_scoped3A : memref<!tpu.dma_semaphore, #tpu.memory_space<semaphore_mem>>) src(%dma_wait3A_121 : memref<2048xi32, #tpu.memory_space<hbm>>) dst(%arg6 : memref<2048xi32, #tpu.memory_space<vmem>>)
      tpu.yield
    }) : () -> ()
    %scan3A_109 = arith.constant 0 : i32
    %scan3A_110 = arith.constant 0 : i32
    %scan3A_111 = arith.constant 128 : i32
    %scan3A_112 = arith.addi %scan3A_110, %scan3A_111 : i32
    %scan3A_113 = arith.constant 1 : i32
    %scan3A_114 = scf.for %scan3A_116 = %scan3A_110 to %scan3A_112 step %scan3A_113 iter_args(%scan3A_117 = %scan3A_109) -> (i32)  : i32 {
      %mul3A_118 = arith.constant 16 : i32
      %mul3A_119 = arith.muli %scan3A_116, %mul3A_118 : i32
      %get3A = arith.index_cast %mul3A_119 : i32 to index
      %get3A_120 = tpu.vector_load %arg6[%get3A] {strides = array<i32>} : memref<2048xi32, #tpu.memory_space<vmem>>, vector<16xi32>,
      %gather3A = tpu.vector_load_idx %arg5[%get3A_120] : memref<100001xf32, #tpu.memory_space<vmem>>[vector<16xi32>], vector<16xf32>,
      %mul3A_121 = arith.constant 16 : i32
      %mul3A_122 = arith.muli %scan3A_116, %mul3A_121 : i32
      %swap3A = arith.index_cast %mul3A_122 : i32 to index
      %swap3A_123 = tpu.vector_load %arg7[%swap3A] {strides = array<i32>} : memref<2048xf32, #tpu.memory_space<vmem>>, vector<16xf32>,
      tpu.vector_store %arg7[%swap3A], %gather3A {strides = array<i32>} : memref<2048xf32, #tpu.memory_space<vmem>>, vector<16xf32>,
      %scan3A_124 = arith.constant 0 : i32
      scf.yield %scan3A_124 : i32
    }
    %scan3A_115 = arith.constant 128 : i32
    "tpu.region"() ({
      %run_scoped3A = tpu.sem_alloc : memref<!tpu.dma_semaphore, #tpu.memory_space<semaphore_mem>>
      %dma_start3A = arith.constant 14336 : i32
      %dma_start3A_116 = tpu.memref_slice %arg4[%add3A_59, %dma_start3A] : memref<64x16384xf32, #tpu.memory_space<hbm>> -> memref<1x2048xf32, #tpu.memory_space<hbm>>
      %dma_start3A_117 = tpu.memref_squeeze %dma_start3A_116 : memref<1x2048xf32, #tpu.memory_space<hbm>> -> memref<2048xf32, #tpu.memory_space<hbm>>
      %dma_start3A_118 = arith.constant 14336 : i32
      %dma_start3A_119 = tpu.memref_slice %arg4[%add3A_59, %dma_start3A_118] : memref<64x16384xf32, #tpu.memory_space<hbm>> -> memref<1x2048xf32, #tpu.memory_space<hbm>>
      %dma_start3A_120 = tpu.memref_squeeze %dma_start3A_119 : memref<1x2048xf32, #tpu.memory_space<hbm>> -> memref<2048xf32, #tpu.memory_space<hbm>>
      tpu.enqueue_dma source(%arg7 : memref<2048xf32, #tpu.memory_space<vmem>>) target(%dma_start3A_120 : memref<2048xf32, #tpu.memory_space<hbm>>) target_semaphore(%run_scoped3A : memref<!tpu.dma_semaphore, #tpu.memory_space<semaphore_mem>>)
      %dma_wait3A = arith.constant 14336 : i32
      %dma_wait3A_121 = tpu.memref_slice %arg4[%add3A_59, %dma_wait3A] : memref<64x16384xf32, #tpu.memory_space<hbm>> -> memref<1x2048xf32, #tpu.memory_space<hbm>>
      %dma_wait3A_122 = tpu.memref_squeeze %dma_wait3A_121 : memref<1x2048xf32, #tpu.memory_space<hbm>> -> memref<2048xf32, #tpu.memory_space<hbm>>
      %dma_wait3A_123 = arith.constant 14336 : i32
      %dma_wait3A_124 = tpu.memref_slice %arg4[%add3A_59, %dma_wait3A_123] : memref<64x16384xf32, #tpu.memory_space<hbm>> -> memref<1x2048xf32, #tpu.memory_space<hbm>>
      %dma_wait3A_125 = tpu.memref_squeeze %dma_wait3A_124 : memref<1x2048xf32, #tpu.memory_space<hbm>> -> memref<2048xf32, #tpu.memory_space<hbm>>
      tpu.wait_dma2 semaphore(%run_scoped3A : memref<!tpu.dma_semaphore, #tpu.memory_space<semaphore_mem>>) src(%arg7 : memref<2048xf32, #tpu.memory_space<vmem>>) dst(%dma_wait3A_125 : memref<2048xf32, #tpu.memory_space<hbm>>)
      tpu.yield
    }) : () -> ()
    return
  }
}

</mosaic_0001>

<sc_bundles>
// kernel: _embed_lookup.3.cloned.1.call-start
scs
__scs_entry_jumppad:
0x0: {  	(pc) =	sbr.rel $0x88, $3  }
0x1: {  	(tag) =	ssettag $0x0;
	lr =	simm.s32 $0x1  }
0x2: {  	[smem:$0x3F9F] =	sst lr;
	_ =	strace $0xD0000000  }
0x3: {  	_ = 	snop  }
0x4: {  	_ = 	snop  }
0x5: {  	_ = 	snop  }
0x6: {  	_ = 	snop  }
0x7: {  	_ = 	snop  }
__scs_overlays_trampoline_lowered:
0x8: {  	[smem:$0x3FAE] =	sst s0  }
0x9: {  	[smem:$0x3FAF] =	sst s1  }
0xa: {  	[smem:$0x3FB0] =	sst s2  }
0xb: {  	[smem:$0x3FB1] =	sst s3  }
0xc: {  	[smem:$0x3FB2] =	sst s4  }
0xd: {  	[smem:$0x3FB3] =	sst s5  }
0xe: {  	[smem:$0x3FB4] =	sst s6  }
0xf: {  	[smem:$0x3FB5] =	sst s7  }
0x10: {  	[smem:$0x3FB6] =	sst s8  }
0x11: {  	[smem:$0x3FB7] =	sst s9;
	s0 =	simm.s32 @!p0 $0x0  }
0x12: {  	s1 =	sld [smem:$0x3F9D];
	s0 =	simm.s32 @p0 $0x1  }
0x13: {  	[smem:$0x3FB8] =	sst s0;
	s0 =	simm.s32 @!p1 $0x0  }
0x14: {  	s2 =	sld [smem:$0x3F9C];
	s0 =	simm.s32 @p1 $0x1  }
0x15: {  	[smem:$0x3FB9] =	sst s0;
	s0 =	simm.s32 @!p2 $0x0  }
0x16: {  	s3 =	sld [smem:$0x3FDB];
	s0 =	simm.s32 @p2 $0x1  }
0x17: {  	s4 =	simm.s32 $0x1BF5;
	[smem:$0x3FBB] =	sst s0  }
0x18: {  	s0 =	sld [smem:$0x3F9E];
	_ =	swait.ge [sflag:s4], $0x0  }
0x19: {  	s7 =	sld [smem:$0x3F9F]  }
0x1a: {  	s8 =	sadd.s32 $0xFFFFE003, lr  }
0x1b: {  	s9 =	sadd.s32 $0xFFFFFEF7, lr;
	s5 =	simm.s32 $0xFFFFFFFF;
	p2 =	slt.u32 s8, $0xFFFFF086  }
0x1c: {  	p1 =	slt.u32 s9, $0xF7A;
	s5 =	simm.s32 @!p2 $0x0  }
0x1d: {  	s5 =	simm.s32 @p1 $0x1;
	p0 =	seq.s32 s7, s2  }
0x1e: {  	s7 =	smul.u32 @!p0 $0xF7A, s2;
	p2 =	seq.s32 @!p0 s5, $0x0  }
0x1f: {  	s9 =	smul.u32 $0xF7A, s1;
	s8 =	simm.s32 @!p0 $0x1BF5;
	p2 =	por !p2, p0  }
0x20: {  	[sflag:s8] =	ssyncset.s32 @!p0 $0xFFFFF086;
	s6 =	sadd.s32 @!p0 s3, s7;
	s7 =	simm.s32 @!p0 $0x108  }
0x21: {  	s3 =	sadd.s32 s3, s9;
	s6 =	sadd.s32 @!p0 $0x88, s6;
	s7 =	simm.s32 @p2 $0x1082  }
0x22: {  	[simem:s7], [sflag:s8] =	dma.local @!p0 [hbm:s6], $0xF7A  }
0x23: {  	s9 =	sor.u32 $0xD0000000, s2;
	s6 =	simm.s32 $0x108;
	_ =	swait.ge @!p0 [sflag:s8], $0x0  }
0x24: {  	s3 =	sadd.s32 $0x88, s3;
	s6 =	simm.s32 @!p1 $0x1082;
	[sflag:s4] =	ssyncset.s32 $0xFFFFF086  }
0x25: {  	[simem:s6], [sflag:s4] =	dma.local [hbm:s3], $0xF7A  }
0x26: {  	[smem:$0x3F9F] =	sst s1;
	(tag) =	ssettag s2;
	_ =	strace s9  }
0x27: {  	s1 =	sld [smem:$0x3FAF]  }
0x28: {  	s2 =	sld [smem:$0x3FB0]  }
0x29: {  	s4 =	sld [smem:$0x3FB2]  }
0x2a: {  	p0 =	seq.s32 s5, $0x0;
	s5 =	sld [smem:$0x3FB3]  }
0x2b: {  	s6 =	sld [smem:$0x3FB4]  }
0x2c: {  	s7 =	sld [smem:$0x3FB5]  }
0x2d: {  	s3 =	simm.s32 $0x108;
	s8 =	sld [smem:$0x3FB6]  }
0x2e: {  	s3 =	simm.s32 @!p0 $0x1082;
	s9 =	sld [smem:$0x3FB7]  }
0x2f: {  	lr =	sadd.s32 s0, s3;
	s0 =	sld [smem:$0x3FAE]  }
0x30: {  	s3 =	sld [smem:$0x3FB1]  }
0x31: {  	[smem:$0x3FBA] =	sst s10  }
0x32: {  	s10 =	sld [smem:$0x3FB8];
	_ =	sdelay $0x3  }
0x33: {  	p0 =	seq.s32 s10, $0x1;
	s10 =	sld [smem:$0x3FBA];
	_ =	sdelay $0x3  }
0x34: {  	[smem:$0x3FBA] =	sst s10  }
0x35: {  	s10 =	sld [smem:$0x3FB9];
	_ =	sdelay $0x3  }
0x36: {  	p1 =	seq.s32 s10, $0x1;
	s10 =	sld [smem:$0x3FBA];
	_ =	sdelay $0x3  }
0x37: {  	[smem:$0x3FBA] =	sst s10  }
0x38: {  	s10 =	sld [smem:$0x3FBB]  }
0x39: {  	_ = 	snop;
	(pc) =	sbr.ind lr, $3  }
0x3a: {  	_ = 	snop  }
0x3b: {  	_ = 	snop  }
0x3c: {  	p2 =	seq.s32 s10, $0x1;
	s10 =	sld [smem:$0x3FBA]  }
0x3d: {  	_ =	shalt  }
0x3e: {  	_ =	shalt  }
0x3f: {  	_ =	shalt  }
0x40: {  	_ =	shalt  }
0x41: {  	_ =	shalt  }
0x42: {  	_ =	shalt  }
0x43: {  	_ =	shalt  }
0x44: {  	_ =	shalt  }
0x45: {  	_ =	shalt  }
0x46: {  	_ =	shalt  }
0x47: {  	_ =	shalt  }
0x48: {  	_ =	shalt  }
0x49: {  	_ =	shalt  }
0x4a: {  	_ =	shalt  }
0x4b: {  	_ =	shalt  }
0x4c: {  	_ =	shalt  }
0x4d: {  	_ =	shalt  }
0x4e: {  	_ =	shalt  }
0x4f: {  	_ =	shalt  }
0x50: {  	_ =	shalt  }
0x51: {  	_ =	shalt  }
0x52: {  	_ =	shalt  }
0x53: {  	_ =	shalt  }
0x54: {  	_ =	shalt  }
0x55: {  	_ =	shalt  }
0x56: {  	_ =	shalt  }
0x57: {  	_ =	shalt  }
0x58: {  	_ =	shalt  }
0x59: {  	_ =	shalt  }
0x5a: {  	_ =	shalt  }
0x5b: {  	_ =	shalt  }
0x5c: {  	_ =	shalt  }
0x5d: {  	_ =	shalt  }
0x5e: {  	_ =	shalt  }
0x5f: {  	_ =	shalt  }
0x60: {  	_ =	shalt  }
0x61: {  	_ =	shalt  }
0x62: {  	_ =	shalt  }
0x63: {  	_ =	shalt  }
0x64: {  	_ =	shalt  }
0x65: {  	_ =	shalt  }
0x66: {  	_ =	shalt  }
0x67: {  	_ =	shalt  }
0x68: {  	_ =	shalt  }
0x69: {  	_ =	shalt  }
0x6a: {  	_ =	shalt  }
0x6b: {  	_ =	shalt  }
0x6c: {  	_ =	shalt  }
0x6d: {  	_ =	shalt  }
0x6e: {  	_ =	shalt  }
0x6f: {  	_ =	shalt  }
0x70: {  	_ =	shalt  }
0x71: {  	_ =	shalt  }
0x72: {  	_ =	shalt  }
0x73: {  	_ =	shalt  }
0x74: {  	_ =	shalt  }
0x75: {  	_ =	shalt  }
0x76: {  	_ =	shalt  }
0x77: {  	_ =	shalt  }
0x78: {  	_ =	shalt  }
0x79: {  	_ =	shalt  }
0x7a: {  	_ =	shalt  }
0x7b: {  	_ =	shalt  }
0x7c: {  	_ =	shalt  }
0x7d: {  	_ =	shalt  }
0x7e: {  	_ =	shalt  }
0x7f: {  	_ =	shalt  }
0x80: {  	_ =	shalt  }
0x81: {  	_ =	shalt  }
0x82: {  	_ =	shalt  }
0x83: {  	_ =	shalt  }
0x84: {  	_ =	shalt  }
0x85: {  	_ =	shalt  }
0x86: {  	_ =	shalt  }
0x87: {  	_ =	shalt  }
.Lfunc_end0:
.L_simem_size_0:
called_computation_lowered:
.L_overlay_start_0:
0x88: {  	s2 =	sld [smem:$0x3FD9]  }
0x89: {  	s3 =	sld [smem:$0x3FFE];
	_ =	sdelay $0x1  }
0x8a: {  	s1 =	srdreg.scid  }
0x8b: {  	s0 =	sand.u32 $0x1, s1  }
0x8c: {  	s18 =	sshll.u32 s0, $0xA;
	s2 =	sadd.s32 s3, s2  }
0x8d: {  	s2 =	sadd.s32 s2, s18  }
0x8e: {  	[smem:$0x3FC6] =	sst s2  }
0x8f: {  	_ = 	snop  }
0x90: {  	s2 =	sld [smem:$0x3FC9]  }
0x91: {  	s19 =	sld [smem:$0x3FC8]  }
0x92: {  	s4 =	sld [smem:$0x3FD0];
	(tm) =	ssettm $0x1  }
0x93: {  	s5 =	sld [smem:$0x3FFB];
	_ =	sdelay $0x3  }
0x94: {  	_ =	strace s5  }
0x95: {  	s5 =	sld [smem:$0x3FFC];
	_ =	sdelay $0x3  }
0x96: {  	_ =	strace s5  }
0x97: {  	s5 =	sld [smem:$0x3FFD];
	_ =	sdelay $0x3  }
0x98: {  	_ =	strace s5  }
0x99: {  	_ =	strace $0x8FFFFFFF  }
0x9a: {  	s20 =	sld [smem:$0x3FDB];
	_ =	sdelay $0x1  }
0x9b: {  	s6 =	simm.s32 $_scs_section_size  }
0x9c: {  	s7 =	simm.s32 $_size__tile_overlayer_lowered;
	s8 =	simm.s32 $_tile_overlayer_lowered  }
0x9d: {  	s23 =	simm.s32 $0x1BFF;
	s22 =	sshll.u32 s8, $0x1;
	s5 =	sadd.s32 s6, s20  }
0x9e: {  	s9 =	simm.s32 $0x0;
	s21 =	sshll.u32 s7, $0x1;
	s7 =	sadd.s32 s22, s5  }
0x9f: {  	[timem:s9], [sflag:s23] =	dma.local [hbm:s7], s21  }
0xa0: {  	_ =	swait.ge [sflag:s23], s21  }
0xa1: {  	s6 =	ssub.s32 $0x0, s21;
	[sflag:s23] =	ssyncset.done $0x0  }
0xa2: {  	[sflag:s23] =	ssyncadd.s32 s6;
	_ =	sdelay $0x1  }
0xa3: {  	s24 =	simm.s32 $0x1B8B  }
0xa4: {  	_ =	swait.ge [sflag:s24], $0x1  }
0xa5: {  	[sflag:s24] =	ssyncset.done $0x0  }
0xa6: {  	s25 =	simm.s32 $0x1B8E;
	[sflag:s24] =	ssyncadd.s32 $0xFFFFFFFF  }
0xa7: {  	s26 =	simm.s32 $execute0_lowered;
	[smem:$0x3FD2] =	sst s25  }
0xa8: {  	s6 =	sshll.u32 s26, $0x1;
	_ =	strace $0x80000046;
	[dreg:$0x1] =	wrdreg $0xFFFFFFFF  }
0xa9: {  	s28 =	simm.s32 $_size_execute0_lowered;
	s5 =	sadd.s32 s5, s6;
	[dreg:$0x0] =	wrdreg $0x0  }
0xaa: {  	s6 =	sshll.u32 s28, $0x1;
	[dreg:$0x2] =	wrdreg s5  }
0xab: {  	[dreg:$0x3] =	wrdreg s6  }
0xac: {  	[dreg:$0x4] =	wrdreg $0xC0  }
0xad: {  	_ =	task [dreg:s9], $0x5FFFF  }
0xae: {  	[dreg:$0x1] =	wrdreg $0xFFFFFFFF  }
0xaf: {  	[dreg:$0x0] =	wrdreg $0x60  }
0xb0: {  	[dreg:$0x2] =	wrdreg s2  }
0xb1: {  	[dreg:$0x3] =	wrdreg s19  }
0xb2: {  	[dreg:$0x4] =	wrdreg s4  }
0xb3: {  	[dreg:$0x5] =	wrdreg $0x9  }
0xb4: {  	_ =	task.clear_ibuf [dreg:s9], $0x6FFFF;
	_ =	strace $0x90000046  }
0xb5: {  	s29 =	simm.s32 $0x9;
	_ =	strace $0x80000048  }
0xb6: {  	_ =	swait.ge [sflag:s29], $0x1  }
0xb7: {  	[sflag:s29] =	ssyncadd.s32 $0xFFFFFFFF  }
0xb8: {  	_ =	strace $0x90000048  }
0xb9: {  	_ =	sfence  }
0xba: {  	s30 =	sld [smem:$0x0];
	_ =	sdelay $0x2  }
0xbb: {  	s31 =	sshll.u32 s1, $0xD;
	s1 =	sshrl.u32 s1, $0x2  }
0xbc: {  	s3 =	sand.u32 $0x4000, s31;
	s1 =	sadd.s32 s1, s30  }
0xbd: {  	s0 =	sor.u32 s3, s0;
	s1 =	sshll.u32 s1, $0x11  }
0xbe: {  	s0 =	sor.u32 s1, s0  }
0xbf: {  	s0 =	sadd.s32 $0x8F2B, s0  }
0xc0: {  	[sflag:s0] =	ssyncadd.remote.s32 $0x1  }
0xc1: {  	_ =	sfence.sel $0xFFFF  }
0xc2: {  	[dreg:$0x0] =	wrdreg $0xFFFFFFFF;
	(pc) =	sbr.abs _section_cstart, $3  }
0xc3: {  	[dreg:$0x1] =	wrdreg $0xFFFFFFFF  }
0xc4: {  	_ =	task.clear_ibuf [dreg:s9], $0x2FFFF;
	_ =	strace $0x9FFFFFFF  }
0xc5: {  	(tm) =	ssettm $0x7FFFFFFF  }
tec
execute0_lowered:
.L_overlay_start_1:
0x0: {  	(tag) =	ssettag $0x1  }
0x1: {  	s1 =	rddreg [dreg:$0x0]  }
0x2: {  	s0 =	rddreg [dreg:$0x1]  }
0x3: {  	s2 =	rddreg [dreg:$0x2]  }
0x4: {  	s3 =	simm.s32 $0x0;
	s4 =	srdreg.scid;
	s6 =	stileid.u32  }
0x5: {  	s31 =	simm.s32 $0x80;
	[smem:$0x7FF] =	sst s3;
	s4 =	sand.u32 $0x1, s4  }
0x6: {  	s5 =	sshrl.u32 s6, $0x2;
	s6 =	sshll.u32 s6, $0x8;
	s10 =	sadd.s32 $0x800, s2  }
0x7: {  	s11 =	sadd.s32 $0x1000, s2;
	s19 =	sadd.s32 $0x1800, s2;
	s20 =	sadd.s32 $0x2000, s2  }
0x8: {  	s21 =	sadd.s32 $0x2800, s2;
	s26 =	sadd.s32 $0x3800, s2;
	s28 =	sadd.s32 $0x500, s1  }
0x9: {  	s29 =	sadd.s32 $0x600, s1;
	s30 =	sadd.s32 $0x700, s1;
	s7 =	sshll.u32 s4, $0x7  }
0xa: {  	s6 =	sand.u32 $0x300, s6;
	s8 =	smul.u32 $0xC3800, s5;
	_ =	strace $0x80000047  }
0xb: {  	s4 =	ssub.s32 $0x2, s4;
	s17 =	sshll.u32 s5, $0x11;
	s5 =	sor.u32 $0x4, s5  }
0xc: {  	s7 =	sor.u32 s7, s6;
	s9 =	sshrl.u32 s4, $0x1;
	s13 =	smul.u32 $0xC3800, s5  }
0xd: {  	s5 =	sshll.u32 s5, $0x11;
	s6 =	sor.u32 s8, s7;
	s8 =	sor.u32 s17, s7  }
0xe: {  	s4 =	ssub.s32 s4, s9;
	s5 =	sor.u32 s7, s5;
	s6 =	sshrl.u32 s6, $0x3  }
0xf: {  	s18 =	sshrl.u32 s8, $0x3;
	s14 =	sor.u32 s7, s13;
	s5 =	sshrl.u32 s5, $0x3  }
0x10: {  	s7 =	simm.s32 $0x0;
	s6 =	sadd.s32 s0, s6;
	s22 =	sadd.s32 s2, s18  }
0x11: {  	s8 =	sadd.s32 s18, s10;
	s12 =	sadd.s32 s18, s11;
	[dreg:$0x4] =	wrdreg s6  }
0x12: {  	s23 =	sadd.s32 s18, s19;
	s24 =	sadd.s32 s18, s20;
	[dreg:$0x5] =	wrdreg s22  }
0x13: {  	s25 =	sshrl.u32 s14, $0x3;
	s15 =	sadd.s32 s18, s26;
	[dreg:$0x6] =	wrdreg s8  }
0x14: {  	s16 =	sadd.s32 s2, s5;
	s17 =	sadd.s32 s5, s10;
	[dreg:$0x7] =	wrdreg s12  }
0x15: {  	s19 =	sadd.s32 s5, s19;
	s20 =	sadd.s32 s5, s20;
	[dreg:$0x8] =	wrdreg s23  }
0x16: {  	s6 =	sadd.s32 $0x100, s1;
	s8 =	sadd.s32 $0x200, s1;
	[dreg:$0x9] =	wrdreg s24  }
0x17: {  	s12 =	sadd.s32 s18, s21;
	s22 =	sadd.s32 $0x3000, s2;
	s14 =	sadd.s32 s0, s25  }
0x18: {  	s21 =	sadd.s32 s5, s21;
	s23 =	sadd.s32 s5, s26;
	s24 =	sadd.s32 $0x300, s1  }
0x19: {  	s25 =	smax.u32 s4, $0x1;
	s26 =	sadd.s32 $0x400, s1;
	s0 =	simm.s32 $0x400  }
0x1a: {  	s2 =	simm.s32 $0x1;
	s4 =	simm.s32 $0x18700;
	s13 =	sadd.s32 s18, s22  }
0x1b: {  	s18 =	sadd.s32 s5, s11;
	s22 =	sadd.s32 s5, s22;
	s5 =	simm.s32 $0x18F00  }
.LBB2_1:
0x1c: {  	s9 =	rddreg [dreg:$0x4]  }
0x1d: {  	[tilespmem:s3], [sflag:$0x1] =	stream.strided.gather [hbm4b:s9+s31], $0x18700, s0, s31, $0x38;
	[tilespmem:$0x19700] =	vst v63  }
0x1e: {  	_ =	swait.ge [sflag:s2], $0x18700  }
0x1f: {  	[sflag:s2] =	ssyncset.done $0x0  }
0x20: {  	[sflag:s2] =	ssyncadd.s32 $0xFFFE7900  }
0x21: {  	[tilespmem:s4], [sflag:$0x1] =	stream.linear.gather [hbm4b:s1+s3], $0x800, $0x38;
	[tilespmem:$0x19700] =	vst v63  }
0x22: {  	_ =	swait.ge [sflag:s2], $0x800  }
0x23: {  	[sflag:s2] =	ssyncset.done $0x0  }
0x24: {  	s9 =	simm.s32 $0x0;
	[sflag:s2] =	ssyncadd.s32 $0xFFFFF800  }
0x25: {  	v0 =	vld [tilespmem:s9+$0x18700];
	_ =	sdelay $0x7  }
0x26: {  	s10 =	simm.s32 $0x10;
	s11 =	simm.s32 $0x80;
	v0 =	vld.idx.msk [tilespmem:v0+s3+$0x0], $0xffff  }
.LBB2_2:
0x27: {  	p0 =	sne.s32 s11, $0x1FC0;
	v1 =	vld [tilespmem:s10+$0x18700];
	_ =	sdelay $0x3  }
.Ltmp0:
0x28: {  	(pc) =	sbr.rel @p0 .LBB2_2-.Ltmp0, $2  }
0x29: {  	[tilespmem:s9+$0x18F00] =	vst v0;
	s9 =	smov.u32 s10;
	_ =	sdelay $0x2  }
0x2a: {  	s10 =	sshra.s32 s11, $0x2;
	s11 =	sadd.s32 $0x40, s11;
	v0 =	vld.idx.msk [tilespmem:v1+s3+$0x0], $0xffff  }
0x2b: {  	v1 =	vld [tilespmem:s10+$0x18700];
	_ =	sdelay $0x6  }
0x2c: {  	[tilespmem:s9+$0x18F00] =	vst v0  }
0x2d: {  	v0 =	vld.idx.msk [tilespmem:v1+s3+$0x0], $0xffff;
	_ =	sdelay $0x4  }
0x2e: {  	[tilespmem:s10+$0x18F00] =	vst v0;
	s10 =	rddreg [dreg:$0x5]  }
0x2f: {  	[hbm4b:s10+s31] =	stream.strided.scatter [tilespmem:s5], [sflag:$0x1], $0x800, s0, s31, $0x38;
	[tilespmem:$0x19700] =	vst v63  }
0x30: {  	_ =	swait.ge [sflag:s2], $0x800  }
0x31: {  	[sflag:s2] =	ssyncset.done $0x0  }
0x32: {  	s11 =	simm.s32 $0x0;
	[sflag:s2] =	ssyncadd.s32 $0xFFFFF800  }
0x33: {  	[tilespmem:s4], [sflag:$0x1] =	stream.linear.gather [hbm4b:s6+s11], $0x800, $0x38;
	[tilespmem:$0x19700] =	vst v63  }
0x34: {  	_ =	swait.ge [sflag:s2], $0x800  }
0x35: {  	[sflag:s2] =	ssyncset.done $0x0  }
0x36: {  	s9 =	simm.s32 $0x0;
	[sflag:s2] =	ssyncadd.s32 $0xFFFFF800  }
0x37: {  	v0 =	vld [tilespmem:s9+$0x18700];
	_ =	sdelay $0x7  }
0x38: {  	s10 =	simm.s32 $0x10;
	s11 =	simm.s32 $0x80;
	v0 =	vld.idx.msk [tilespmem:v0+s3+$0x0], $0xffff  }
.LBB2_4:
0x39: {  	p0 =	sne.s32 s11, $0x1FC0;
	v1 =	vld [tilespmem:s10+$0x18700];
	_ =	sdelay $0x3  }
.Ltmp1:
0x3a: {  	(pc) =	sbr.rel @p0 .LBB2_4-.Ltmp1, $2  }
0x3b: {  	[tilespmem:s9+$0x18F00] =	vst v0;
	s9 =	smov.u32 s10;
	_ =	sdelay $0x2  }
0x3c: {  	s10 =	sshra.s32 s11, $0x2;
	s11 =	sadd.s32 $0x40, s11;
	v0 =	vld.idx.msk [tilespmem:v1+s3+$0x0], $0xffff  }
0x3d: {  	v1 =	vld [tilespmem:s10+$0x18700];
	_ =	sdelay $0x6  }
0x3e: {  	[tilespmem:s9+$0x18F00] =	vst v0  }
0x3f: {  	v0 =	vld.idx.msk [tilespmem:v1+s3+$0x0], $0xffff;
	_ =	sdelay $0x4  }
0x40: {  	[tilespmem:s10+$0x18F00] =	vst v0;
	s10 =	rddreg [dreg:$0x6]  }
0x41: {  	[hbm4b:s10+s31] =	stream.strided.scatter [tilespmem:s5], [sflag:$0x1], $0x800, s0, s31, $0x38;
	[tilespmem:$0x19700] =	vst v63  }
0x42: {  	_ =	swait.ge [sflag:s2], $0x800  }
0x43: {  	[sflag:s2] =	ssyncset.done $0x0  }
0x44: {  	s11 =	simm.s32 $0x0;
	[sflag:s2] =	ssyncadd.s32 $0xFFFFF800  }
0x45: {  	[tilespmem:s4], [sflag:$0x1] =	stream.linear.gather [hbm4b:s8+s11], $0x800, $0x38;
	[tilespmem:$0x19700] =	vst v63  }
0x46: {  	_ =	swait.ge [sflag:s2], $0x800  }
0x47: {  	[sflag:s2] =	ssyncset.done $0x0  }
0x48: {  	s9 =	simm.s32 $0x0;
	[sflag:s2] =	ssyncadd.s32 $0xFFFFF800  }
0x49: {  	v0 =	vld [tilespmem:s9+$0x18700];
	_ =	sdelay $0x7  }
0x4a: {  	s10 =	simm.s32 $0x10;
	s11 =	simm.s32 $0x80;
	v0 =	vld.idx.msk [tilespmem:v0+s3+$0x0], $0xffff  }
.LBB2_6:
0x4b: {  	p0 =	sne.s32 s11, $0x1FC0;
	v1 =	vld [tilespmem:s10+$0x18700];
	_ =	sdelay $0x3  }
.Ltmp2:
0x4c: {  	(pc) =	sbr.rel @p0 .LBB2_6-.Ltmp2, $2  }
0x4d: {  	[tilespmem:s9+$0x18F00] =	vst v0;
	s9 =	smov.u32 s10;
	_ =	sdelay $0x2  }
0x4e: {  	s10 =	sshra.s32 s11, $0x2;
	s11 =	sadd.s32 $0x40, s11;
	v0 =	vld.idx.msk [tilespmem:v1+s3+$0x0], $0xffff  }
0x4f: {  	v1 =	vld [tilespmem:s10+$0x18700];
	_ =	sdelay $0x6  }
0x50: {  	[tilespmem:s9+$0x18F00] =	vst v0  }
0x51: {  	v0 =	vld.idx.msk [tilespmem:v1+s3+$0x0], $0xffff;
	_ =	sdelay $0x4  }
0x52: {  	[tilespmem:s10+$0x18F00] =	vst v0;
	s10 =	rddreg [dreg:$0x7]  }
0x53: {  	[hbm4b:s10+s31] =	stream.strided.scatter [tilespmem:s5], [sflag:$0x1], $0x800, s0, s31, $0x38;
	[tilespmem:$0x19700] =	vst v63  }
0x54: {  	_ =	swait.ge [sflag:s2], $0x800  }
0x55: {  	[sflag:s2] =	ssyncset.done $0x0  }
0x56: {  	s11 =	simm.s32 $0x0;
	[sflag:s2] =	ssyncadd.s32 $0xFFFFF800  }
0x57: {  	[tilespmem:s4], [sflag:$0x1] =	stream.linear.gather [hbm4b:s24+s11], $0x800, $0x38;
	[tilespmem:$0x19700] =	vst v63  }
0x58: {  	_ =	swait.ge [sflag:s2], $0x800  }
0x59: {  	[sflag:s2] =	ssyncset.done $0x0  }
0x5a: {  	s9 =	simm.s32 $0x0;
	[sflag:s2] =	ssyncadd.s32 $0xFFFFF800  }
0x5b: {  	v0 =	vld [tilespmem:s9+$0x18700];
	_ =	sdelay $0x7  }
0x5c: {  	s10 =	simm.s32 $0x10;
	s11 =	simm.s32 $0x80;
	v0 =	vld.idx.msk [tilespmem:v0+s3+$0x0], $0xffff  }
.LBB2_8:
0x5d: {  	p0 =	sne.s32 s11, $0x1FC0;
	v1 =	vld [tilespmem:s10+$0x18700];
	_ =	sdelay $0x3  }
.Ltmp3:
0x5e: {  	(pc) =	sbr.rel @p0 .LBB2_8-.Ltmp3, $2  }
0x5f: {  	[tilespmem:s9+$0x18F00] =	vst v0;
	s9 =	smov.u32 s10;
	_ =	sdelay $0x2  }
0x60: {  	s10 =	sshra.s32 s11, $0x2;
	s11 =	sadd.s32 $0x40, s11;
	v0 =	vld.idx.msk [tilespmem:v1+s3+$0x0], $0xffff  }
0x61: {  	v1 =	vld [tilespmem:s10+$0x18700];
	_ =	sdelay $0x6  }
0x62: {  	[tilespmem:s9+$0x18F00] =	vst v0  }
0x63: {  	v0 =	vld.idx.msk [tilespmem:v1+s3+$0x0], $0xffff;
	_ =	sdelay $0x4  }
0x64: {  	[tilespmem:s10+$0x18F00] =	vst v0;
	s10 =	rddreg [dreg:$0x8]  }
0x65: {  	[hbm4b:s10+s31] =	stream.strided.scatter [tilespmem:s5], [sflag:$0x1], $0x800, s0, s31, $0x38;
	[tilespmem:$0x19700] =	vst v63  }
0x66: {  	_ =	swait.ge [sflag:s2], $0x800  }
0x67: {  	[sflag:s2] =	ssyncset.done $0x0  }
0x68: {  	s11 =	simm.s32 $0x0;
	[sflag:s2] =	ssyncadd.s32 $0xFFFFF800  }
0x69: {  	[tilespmem:s4], [sflag:$0x1] =	stream.linear.gather [hbm4b:s26+s11], $0x800, $0x38;
	[tilespmem:$0x19700] =	vst v63  }
0x6a: {  	_ =	swait.ge [sflag:s2], $0x800  }
0x6b: {  	[sflag:s2] =	ssyncset.done $0x0  }
0x6c: {  	s9 =	simm.s32 $0x0;
	[sflag:s2] =	ssyncadd.s32 $0xFFFFF800  }
0x6d: {  	v0 =	vld [tilespmem:s9+$0x18700];
	_ =	sdelay $0x7  }
0x6e: {  	s10 =	simm.s32 $0x10;
	s11 =	simm.s32 $0x80;
	v0 =	vld.idx.msk [tilespmem:v0+s3+$0x0], $0xffff  }
.LBB2_10:
0x6f: {  	p0 =	sne.s32 s11, $0x1FC0;
	v1 =	vld [tilespmem:s10+$0x18700];
	_ =	sdelay $0x3  }
.Ltmp4:
0x70: {  	(pc) =	sbr.rel @p0 .LBB2_10-.Ltmp4, $2  }
0x71: {  	[tilespmem:s9+$0x18F00] =	vst v0;
	s9 =	smov.u32 s10;
	_ =	sdelay $0x2  }
0x72: {  	s10 =	sshra.s32 s11, $0x2;
	s11 =	sadd.s32 $0x40, s11;
	v0 =	vld.idx.msk [tilespmem:v1+s3+$0x0], $0xffff  }
0x73: {  	v1 =	vld [tilespmem:s10+$0x18700];
	_ =	sdelay $0x6  }
0x74: {  	[tilespmem:s9+$0x18F00] =	vst v0  }
0x75: {  	v0 =	vld.idx.msk [tilespmem:v1+s3+$0x0], $0xffff;
	_ =	sdelay $0x4  }
0x76: {  	[tilespmem:s10+$0x18F00] =	vst v0;
	s10 =	rddreg [dreg:$0x9]  }
0x77: {  	[hbm4b:s10+s31] =	stream.strided.scatter [tilespmem:s5], [sflag:$0x1], $0x800, s0, s31, $0x38;
	[tilespmem:$0x19700] =	vst v63  }
0x78: {  	_ =	swait.ge [sflag:s2], $0x800  }
0x79: {  	[sflag:s2] =	ssyncset.done $0x0  }
0x7a: {  	s11 =	simm.s32 $0x0;
	[sflag:s2] =	ssyncadd.s32 $0xFFFFF800  }
0x7b: {  	[tilespmem:s4], [sflag:$0x1] =	stream.linear.gather [hbm4b:s28+s11], $0x800, $0x38;
	[tilespmem:$0x19700] =	vst v63  }
0x7c: {  	_ =	swait.ge [sflag:s2], $0x800  }
0x7d: {  	[sflag:s2] =	ssyncset.done $0x0  }
0x7e: {  	s9 =	simm.s32 $0x0;
	[sflag:s2] =	ssyncadd.s32 $0xFFFFF800  }
0x7f: {  	v0 =	vld [tilespmem:s9+$0x18700];
	_ =	sdelay $0x7  }
0x80: {  	s10 =	simm.s32 $0x10;
	s11 =	simm.s32 $0x80;
	v0 =	vld.idx.msk [tilespmem:v0+s3+$0x0], $0xffff  }
.LBB2_12:
0x81: {  	p0 =	sne.s32 s11, $0x1FC0;
	v1 =	vld [tilespmem:s10+$0x18700];
	_ =	sdelay $0x3  }
.Ltmp5:
0x82: {  	(pc) =	sbr.rel @p0 .LBB2_12-.Ltmp5, $2  }
0x83: {  	[tilespmem:s9+$0x18F00] =	vst v0;
	s9 =	smov.u32 s10;
	_ =	sdelay $0x2  }
0x84: {  	s10 =	sshra.s32 s11, $0x2;
	s11 =	sadd.s32 $0x40, s11;
	v0 =	vld.idx.msk [tilespmem:v1+s3+$0x0], $0xffff  }
0x85: {  	v1 =	vld [tilespmem:s10+$0x18700];
	_ =	sdelay $0x6  }
0x86: {  	[tilespmem:s9+$0x18F00] =	vst v0  }
0x87: {  	v0 =	vld.idx.msk [tilespmem:v1+s3+$0x0], $0xffff;
	_ =	sdelay $0x4  }
0x88: {  	[tilespmem:s10+$0x18F00] =	vst v0  }
0x89: {  	[hbm4b:s12+s31] =	stream.strided.scatter [tilespmem:s5], [sflag:$0x1], $0x800, s0, s31, $0x38;
	[tilespmem:$0x19700] =	vst v63  }
0x8a: {  	_ =	swait.ge [sflag:s2], $0x800  }
0x8b: {  	[sflag:s2] =	ssyncset.done $0x0  }
0x8c: {  	s11 =	simm.s32 $0x0;
	[sflag:s2] =	ssyncadd.s32 $0xFFFFF800  }
0x8d: {  	[tilespmem:s4], [sflag:$0x1] =	stream.linear.gather [hbm4b:s29+s11], $0x800, $0x38;
	[tilespmem:$0x19700] =	vst v63  }
0x8e: {  	_ =	swait.ge [sflag:s2], $0x800  }
0x8f: {  	[sflag:s2] =	ssyncset.done $0x0  }
0x90: {  	s9 =	simm.s32 $0x0;
	[sflag:s2] =	ssyncadd.s32 $0xFFFFF800  }
0x91: {  	v0 =	vld [tilespmem:s9+$0x18700];
	_ =	sdelay $0x7  }
0x92: {  	s10 =	simm.s32 $0x10;
	s11 =	simm.s32 $0x80;
	v0 =	vld.idx.msk [tilespmem:v0+s3+$0x0], $0xffff  }
.LBB2_14:
0x93: {  	p0 =	sne.s32 s11, $0x1FC0;
	v1 =	vld [tilespmem:s10+$0x18700];
	_ =	sdelay $0x3  }
.Ltmp6:
0x94: {  	(pc) =	sbr.rel @p0 .LBB2_14-.Ltmp6, $2  }
0x95: {  	[tilespmem:s9+$0x18F00] =	vst v0;
	s9 =	smov.u32 s10;
	_ =	sdelay $0x2  }
0x96: {  	s10 =	sshra.s32 s11, $0x2;
	s11 =	sadd.s32 $0x40, s11;
	v0 =	vld.idx.msk [tilespmem:v1+s3+$0x0], $0xffff  }
0x97: {  	v1 =	vld [tilespmem:s10+$0x18700];
	_ =	sdelay $0x6  }
0x98: {  	[tilespmem:s9+$0x18F00] =	vst v0  }
0x99: {  	v0 =	vld.idx.msk [tilespmem:v1+s3+$0x0], $0xffff;
	_ =	sdelay $0x4  }
0x9a: {  	[tilespmem:s10+$0x18F00] =	vst v0  }
0x9b: {  	[hbm4b:s13+s31] =	stream.strided.scatter [tilespmem:s5], [sflag:$0x1], $0x800, s0, s31, $0x38;
	[tilespmem:$0x19700] =	vst v63  }
0x9c: {  	_ =	swait.ge [sflag:s2], $0x800  }
0x9d: {  	[sflag:s2] =	ssyncset.done $0x0  }
0x9e: {  	s11 =	simm.s32 $0x0;
	[sflag:s2] =	ssyncadd.s32 $0xFFFFF800  }
0x9f: {  	[tilespmem:s4], [sflag:$0x1] =	stream.linear.gather [hbm4b:s30+s11], $0x800, $0x38;
	[tilespmem:$0x19700] =	vst v63  }
0xa0: {  	_ =	swait.ge [sflag:s2], $0x800  }
0xa1: {  	[sflag:s2] =	ssyncset.done $0x0  }
0xa2: {  	s9 =	simm.s32 $0x0;
	[sflag:s2] =	ssyncadd.s32 $0xFFFFF800  }
0xa3: {  	v0 =	vld [tilespmem:s9+$0x18700];
	_ =	sdelay $0x7  }
0xa4: {  	s10 =	simm.s32 $0x10;
	s11 =	simm.s32 $0x80;
	v0 =	vld.idx.msk [tilespmem:v0+s3+$0x0], $0xffff  }
.LBB2_16:
0xa5: {  	p0 =	sne.s32 s11, $0x1FC0;
	v1 =	vld [tilespmem:s10+$0x18700];
	_ =	sdelay $0x3  }
.Ltmp7:
0xa6: {  	(pc) =	sbr.rel @p0 .LBB2_16-.Ltmp7, $2  }
0xa7: {  	[tilespmem:s9+$0x18F00] =	vst v0;
	s9 =	smov.u32 s10;
	_ =	sdelay $0x2  }
0xa8: {  	s10 =	sshra.s32 s11, $0x2;
	s11 =	sadd.s32 $0x40, s11;
	v0 =	vld.idx.msk [tilespmem:v1+s3+$0x0], $0xffff  }
0xa9: {  	v1 =	vld [tilespmem:s10+$0x18700];
	_ =	sdelay $0x6  }
0xaa: {  	[tilespmem:s9+$0x18F00] =	vst v0  }
0xab: {  	v0 =	vld.idx.msk [tilespmem:v1+s3+$0x0], $0xffff;
	_ =	sdelay $0x4  }
0xac: {  	[tilespmem:s10+$0x18F00] =	vst v0  }
0xad: {  	[hbm4b:s15+s31] =	stream.strided.scatter [tilespmem:s5], [sflag:$0x1], $0x800, s0, s31, $0x38;
	[tilespmem:$0x19700] =	vst v63  }
0xae: {  	_ =	swait.ge [sflag:s2], $0x800  }
0xaf: {  	[sflag:s2] =	ssyncset.done $0x0  }
0xb0: {  	s11 =	simm.s32 $0x0;
	[sflag:s2] =	ssyncadd.s32 $0xFFFFF800  }
0xb1: {  	[tilespmem:s11], [sflag:$0x1] =	stream.strided.gather [hbm4b:s14+s31], $0x18700, s0, s31, $0x38;
	[tilespmem:$0x19700] =	vst v63  }
0xb2: {  	_ =	swait.ge [sflag:s2], $0x18700  }
0xb3: {  	[sflag:s2] =	ssyncset.done $0x0  }
0xb4: {  	[sflag:s2] =	ssyncadd.s32 $0xFFFE7900  }
0xb5: {  	[tilespmem:s4], [sflag:$0x1] =	stream.linear.gather [hbm4b:s1+s11], $0x800, $0x38;
	[tilespmem:$0x19700] =	vst v63  }
0xb6: {  	_ =	swait.ge [sflag:s2], $0x800  }
0xb7: {  	[sflag:s2] =	ssyncset.done $0x0  }
0xb8: {  	s9 =	simm.s32 $0x0;
	[sflag:s2] =	ssyncadd.s32 $0xFFFFF800  }
0xb9: {  	v0 =	vld [tilespmem:s9+$0x18700];
	_ =	sdelay $0x7  }
0xba: {  	s10 =	simm.s32 $0x10;
	s11 =	simm.s32 $0x80;
	v0 =	vld.idx.msk [tilespmem:v0+s3+$0x0], $0xffff  }
.LBB2_18:
0xbb: {  	p0 =	sne.s32 s11, $0x1FC0;
	v1 =	vld [tilespmem:s10+$0x18700];
	_ =	sdelay $0x3  }
.Ltmp8:
0xbc: {  	(pc) =	sbr.rel @p0 .LBB2_18-.Ltmp8, $2  }
0xbd: {  	[tilespmem:s9+$0x18F00] =	vst v0;
	s9 =	smov.u32 s10;
	_ =	sdelay $0x2  }
0xbe: {  	s10 =	sshra.s32 s11, $0x2;
	s11 =	sadd.s32 $0x40, s11;
	v0 =	vld.idx.msk [tilespmem:v1+s3+$0x0], $0xffff  }
0xbf: {  	v1 =	vld [tilespmem:s10+$0x18700];
	_ =	sdelay $0x6  }
0xc0: {  	[tilespmem:s9+$0x18F00] =	vst v0  }
0xc1: {  	v0 =	vld.idx.msk [tilespmem:v1+s3+$0x0], $0xffff;
	_ =	sdelay $0x4  }
0xc2: {  	[tilespmem:s10+$0x18F00] =	vst v0  }
0xc3: {  	[hbm4b:s16+s31] =	stream.strided.scatter [tilespmem:s5], [sflag:$0x1], $0x800, s0, s31, $0x38;
	[tilespmem:$0x19700] =	vst v63  }
0xc4: {  	_ =	swait.ge [sflag:s2], $0x800  }
0xc5: {  	[sflag:s2] =	ssyncset.done $0x0  }
0xc6: {  	s11 =	simm.s32 $0x0;
	[sflag:s2] =	ssyncadd.s32 $0xFFFFF800  }
0xc7: {  	[tilespmem:s4], [sflag:$0x1] =	stream.linear.gather [hbm4b:s6+s11], $0x800, $0x38;
	[tilespmem:$0x19700] =	vst v63  }
0xc8: {  	_ =	swait.ge [sflag:s2], $0x800  }
0xc9: {  	[sflag:s2] =	ssyncset.done $0x0  }
0xca: {  	s9 =	simm.s32 $0x0;
	[sflag:s2] =	ssyncadd.s32 $0xFFFFF800  }
0xcb: {  	v0 =	vld [tilespmem:s9+$0x18700];
	_ =	sdelay $0x7  }
0xcc: {  	s10 =	simm.s32 $0x10;
	s11 =	simm.s32 $0x80;
	v0 =	vld.idx.msk [tilespmem:v0+s3+$0x0], $0xffff  }
.LBB2_20:
0xcd: {  	p0 =	sne.s32 s11, $0x1FC0;
	v1 =	vld [tilespmem:s10+$0x18700];
	_ =	sdelay $0x3  }
.Ltmp9:
0xce: {  	(pc) =	sbr.rel @p0 .LBB2_20-.Ltmp9, $2  }
0xcf: {  	[tilespmem:s9+$0x18F00] =	vst v0;
	s9 =	smov.u32 s10;
	_ =	sdelay $0x2  }
0xd0: {  	s10 =	sshra.s32 s11, $0x2;
	s11 =	sadd.s32 $0x40, s11;
	v0 =	vld.idx.msk [tilespmem:v1+s3+$0x0], $0xffff  }
0xd1: {  	v1 =	vld [tilespmem:s10+$0x18700];
	_ =	sdelay $0x6  }
0xd2: {  	[tilespmem:s9+$0x18F00] =	vst v0  }
0xd3: {  	v0 =	vld.idx.msk [tilespmem:v1+s3+$0x0], $0xffff;
	_ =	sdelay $0x4  }
0xd4: {  	[tilespmem:s10+$0x18F00] =	vst v0  }
0xd5: {  	[hbm4b:s17+s31] =	stream.strided.scatter [tilespmem:s5], [sflag:$0x1], $0x800, s0, s31, $0x38;
	[tilespmem:$0x19700] =	vst v63  }
0xd6: {  	_ =	swait.ge [sflag:s2], $0x800  }
0xd7: {  	[sflag:s2] =	ssyncset.done $0x0  }
0xd8: {  	s11 =	simm.s32 $0x0;
	[sflag:s2] =	ssyncadd.s32 $0xFFFFF800  }
0xd9: {  	[tilespmem:s4], [sflag:$0x1] =	stream.linear.gather [hbm4b:s8+s11], $0x800, $0x38;
	[tilespmem:$0x19700] =	vst v63  }
0xda: {  	_ =	swait.ge [sflag:s2], $0x800  }
0xdb: {  	[sflag:s2] =	ssyncset.done $0x0  }
0xdc: {  	s9 =	simm.s32 $0x0;
	[sflag:s2] =	ssyncadd.s32 $0xFFFFF800  }
0xdd: {  	v0 =	vld [tilespmem:s9+$0x18700];
	_ =	sdelay $0x7  }
0xde: {  	s10 =	simm.s32 $0x10;
	s11 =	simm.s32 $0x80;
	v0 =	vld.idx.msk [tilespmem:v0+s3+$0x0], $0xffff  }
.LBB2_22:
0xdf: {  	p0 =	sne.s32 s11, $0x1FC0;
	v1 =	vld [tilespmem:s10+$0x18700];
	_ =	sdelay $0x3  }
.Ltmp10:
0xe0: {  	(pc) =	sbr.rel @p0 .LBB2_22-.Ltmp10, $2  }
0xe1: {  	[tilespmem:s9+$0x18F00] =	vst v0;
	s9 =	smov.u32 s10;
	_ =	sdelay $0x2  }
0xe2: {  	s10 =	sshra.s32 s11, $0x2;
	s11 =	sadd.s32 $0x40, s11;
	v0 =	vld.idx.msk [tilespmem:v1+s3+$0x0], $0xffff  }
0xe3: {  	v1 =	vld [tilespmem:s10+$0x18700];
	_ =	sdelay $0x6  }
0xe4: {  	[tilespmem:s9+$0x18F00] =	vst v0  }
0xe5: {  	v0 =	vld.idx.msk [tilespmem:v1+s3+$0x0], $0xffff;
	_ =	sdelay $0x4  }
0xe6: {  	[tilespmem:s10+$0x18F00] =	vst v0  }
0xe7: {  	[hbm4b:s18+s31] =	stream.strided.scatter [tilespmem:s5], [sflag:$0x1], $0x800, s0, s31, $0x38;
	[tilespmem:$0x19700] =	vst v63  }
0xe8: {  	_ =	swait.ge [sflag:s2], $0x800  }
0xe9: {  	[sflag:s2] =	ssyncset.done $0x0  }
0xea: {  	s11 =	simm.s32 $0x0;
	[sflag:s2] =	ssyncadd.s32 $0xFFFFF800  }
0xeb: {  	[tilespmem:s4], [sflag:$0x1] =	stream.linear.gather [hbm4b:s24+s11], $0x800, $0x38;
	[tilespmem:$0x19700] =	vst v63  }
0xec: {  	_ =	swait.ge [sflag:s2], $0x800  }
0xed: {  	[sflag:s2] =	ssyncset.done $0x0  }
0xee: {  	s9 =	simm.s32 $0x0;
	[sflag:s2] =	ssyncadd.s32 $0xFFFFF800  }
0xef: {  	v0 =	vld [tilespmem:s9+$0x18700];
	_ =	sdelay $0x7  }
0xf0: {  	s10 =	simm.s32 $0x10;
	s11 =	simm.s32 $0x80;
	v0 =	vld.idx.msk [tilespmem:v0+s3+$0x0], $0xffff  }
.LBB2_24:
0xf1: {  	p0 =	sne.s32 s11, $0x1FC0;
	v1 =	vld [tilespmem:s10+$0x18700];
	_ =	sdelay $0x3  }
.Ltmp11:
0xf2: {  	(pc) =	sbr.rel @p0 .LBB2_24-.Ltmp11, $2  }
0xf3: {  	[tilespmem:s9+$0x18F00] =	vst v0;
	s9 =	smov.u32 s10;
	_ =	sdelay $0x2  }
0xf4: {  	s10 =	sshra.s32 s11, $0x2;
	s11 =	sadd.s32 $0x40, s11;
	v0 =	vld.idx.msk [tilespmem:v1+s3+$0x0], $0xffff  }
0xf5: {  	v1 =	vld [tilespmem:s10+$0x18700];
	_ =	sdelay $0x6  }
0xf6: {  	[tilespmem:s9+$0x18F00] =	vst v0  }
0xf7: {  	v0 =	vld.idx.msk [tilespmem:v1+s3+$0x0], $0xffff;
	_ =	sdelay $0x4  }
0xf8: {  	[tilespmem:s10+$0x18F00] =	vst v0  }
0xf9: {  	[hbm4b:s19+s31] =	stream.strided.scatter [tilespmem:s5], [sflag:$0x1], $0x800, s0, s31, $0x38;
	[tilespmem:$0x19700] =	vst v63  }
0xfa: {  	_ =	swait.ge [sflag:s2], $0x800  }
0xfb: {  	[sflag:s2] =	ssyncset.done $0x0  }
0xfc: {  	s11 =	simm.s32 $0x0;
	[sflag:s2] =	ssyncadd.s32 $0xFFFFF800  }
0xfd: {  	[tilespmem:s4], [sflag:$0x1] =	stream.linear.gather [hbm4b:s26+s11], $0x800, $0x38;
	[tilespmem:$0x19700] =	vst v63  }
0xfe: {  	_ =	swait.ge [sflag:s2], $0x800  }
0xff: {  	[sflag:s2] =	ssyncset.done $0x0  }
0x100: {  	s9 =	simm.s32 $0x0;
	[sflag:s2] =	ssyncadd.s32 $0xFFFFF800  }
0x101: {  	v0 =	vld [tilespmem:s9+$0x18700];
	_ =	sdelay $0x7  }
0x102: {  	s10 =	simm.s32 $0x10;
	s11 =	simm.s32 $0x80;
	v0 =	vld.idx.msk [tilespmem:v0+s3+$0x0], $0xffff  }
.LBB2_26:
0x103: {  	p0 =	sne.s32 s11, $0x1FC0;
	v1 =	vld [tilespmem:s10+$0x18700];
	_ =	sdelay $0x3  }
.Ltmp12:
0x104: {  	(pc) =	sbr.rel @p0 .LBB2_26-.Ltmp12, $2  }
0x105: {  	[tilespmem:s9+$0x18F00] =	vst v0;
	s9 =	smov.u32 s10;
	_ =	sdelay $0x2  }
0x106: {  	s10 =	sshra.s32 s11, $0x2;
	s11 =	sadd.s32 $0x40, s11;
	v0 =	vld.idx.msk [tilespmem:v1+s3+$0x0], $0xffff  }
0x107: {  	v1 =	vld [tilespmem:s10+$0x18700];
	_ =	sdelay $0x6  }
0x108: {  	[tilespmem:s9+$0x18F00] =	vst v0  }
0x109: {  	v0 =	vld.idx.msk [tilespmem:v1+s3+$0x0], $0xffff;
	_ =	sdelay $0x4  }
0x10a: {  	[tilespmem:s10+$0x18F00] =	vst v0  }
0x10b: {  	[hbm4b:s20+s31] =	stream.strided.scatter [tilespmem:s5], [sflag:$0x1], $0x800, s0, s31, $0x38;
	[tilespmem:$0x19700] =	vst v63  }
0x10c: {  	_ =	swait.ge [sflag:s2], $0x800  }
0x10d: {  	[sflag:s2] =	ssyncset.done $0x0  }
0x10e: {  	s11 =	simm.s32 $0x0;
	[sflag:s2] =	ssyncadd.s32 $0xFFFFF800  }
0x10f: {  	[tilespmem:s4], [sflag:$0x1] =	stream.linear.gather [hbm4b:s28+s11], $0x800, $0x38;
	[tilespmem:$0x19700] =	vst v63  }
0x110: {  	_ =	swait.ge [sflag:s2], $0x800  }
0x111: {  	[sflag:s2] =	ssyncset.done $0x0  }
0x112: {  	s9 =	simm.s32 $0x0;
	[sflag:s2] =	ssyncadd.s32 $0xFFFFF800  }
0x113: {  	v0 =	vld [tilespmem:s9+$0x18700];
	_ =	sdelay $0x7  }
0x114: {  	s10 =	simm.s32 $0x10;
	s11 =	simm.s32 $0x80;
	v0 =	vld.idx.msk [tilespmem:v0+s3+$0x0], $0xffff  }
.LBB2_28:
0x115: {  	p0 =	sne.s32 s11, $0x1FC0;
	v1 =	vld [tilespmem:s10+$0x18700];
	_ =	sdelay $0x3  }
.Ltmp13:
0x116: {  	(pc) =	sbr.rel @p0 .LBB2_28-.Ltmp13, $2  }
0x117: {  	[tilespmem:s9+$0x18F00] =	vst v0;
	s9 =	smov.u32 s10;
	_ =	sdelay $0x2  }
0x118: {  	s10 =	sshra.s32 s11, $0x2;
	s11 =	sadd.s32 $0x40, s11;
	v0 =	vld.idx.msk [tilespmem:v1+s3+$0x0], $0xffff  }
0x119: {  	v1 =	vld [tilespmem:s10+$0x18700];
	_ =	sdelay $0x6  }
0x11a: {  	[tilespmem:s9+$0x18F00] =	vst v0  }
0x11b: {  	v0 =	vld.idx.msk [tilespmem:v1+s3+$0x0], $0xffff;
	_ =	sdelay $0x4  }
0x11c: {  	[tilespmem:s10+$0x18F00] =	vst v0  }
0x11d: {  	[hbm4b:s21+s31] =	stream.strided.scatter [tilespmem:s5], [sflag:$0x1], $0x800, s0, s31, $0x38;
	[tilespmem:$0x19700] =	vst v63  }
0x11e: {  	_ =	swait.ge [sflag:s2], $0x800  }
0x11f: {  	[sflag:s2] =	ssyncset.done $0x0  }
0x120: {  	s11 =	simm.s32 $0x0;
	[sflag:s2] =	ssyncadd.s32 $0xFFFFF800  }
0x121: {  	[tilespmem:s4], [sflag:$0x1] =	stream.linear.gather [hbm4b:s29+s11], $0x800, $0x38;
	[tilespmem:$0x19700] =	vst v63  }
0x122: {  	_ =	swait.ge [sflag:s2], $0x800  }
0x123: {  	[sflag:s2] =	ssyncset.done $0x0  }
0x124: {  	s9 =	simm.s32 $0x0;
	[sflag:s2] =	ssyncadd.s32 $0xFFFFF800  }
0x125: {  	v0 =	vld [tilespmem:s9+$0x18700];
	_ =	sdelay $0x7  }
0x126: {  	s10 =	simm.s32 $0x10;
	s11 =	simm.s32 $0x80;
	v0 =	vld.idx.msk [tilespmem:v0+s3+$0x0], $0xffff  }
.LBB2_30:
0x127: {  	p0 =	sne.s32 s11, $0x1FC0;
	v1 =	vld [tilespmem:s10+$0x18700];
	_ =	sdelay $0x3  }
.Ltmp14:
0x128: {  	(pc) =	sbr.rel @p0 .LBB2_30-.Ltmp14, $2  }
0x129: {  	[tilespmem:s9+$0x18F00] =	vst v0;
	s9 =	smov.u32 s10;
	_ =	sdelay $0x2  }
0x12a: {  	s10 =	sshra.s32 s11, $0x2;
	s11 =	sadd.s32 $0x40, s11;
	v0 =	vld.idx.msk [tilespmem:v1+s3+$0x0], $0xffff  }
0x12b: {  	v1 =	vld [tilespmem:s10+$0x18700];
	_ =	sdelay $0x6  }
0x12c: {  	[tilespmem:s9+$0x18F00] =	vst v0  }
0x12d: {  	v0 =	vld.idx.msk [tilespmem:v1+s3+$0x0], $0xffff;
	_ =	sdelay $0x4  }
0x12e: {  	[tilespmem:s10+$0x18F00] =	vst v0  }
0x12f: {  	[hbm4b:s22+s31] =	stream.strided.scatter [tilespmem:s5], [sflag:$0x1], $0x800, s0, s31, $0x38;
	[tilespmem:$0x19700] =	vst v63  }
0x130: {  	_ =	swait.ge [sflag:s2], $0x800  }
0x131: {  	[sflag:s2] =	ssyncset.done $0x0  }
0x132: {  	s11 =	simm.s32 $0x0;
	[sflag:s2] =	ssyncadd.s32 $0xFFFFF800  }
0x133: {  	[tilespmem:s4], [sflag:$0x1] =	stream.linear.gather [hbm4b:s30+s11], $0x800, $0x38;
	[tilespmem:$0x19700] =	vst v63  }
0x134: {  	_ =	swait.ge [sflag:s2], $0x800  }
0x135: {  	[sflag:s2] =	ssyncset.done $0x0  }
0x136: {  	s9 =	simm.s32 $0x0;
	[sflag:s2] =	ssyncadd.s32 $0xFFFFF800  }
0x137: {  	v0 =	vld [tilespmem:s9+$0x18700];
	_ =	sdelay $0x7  }
0x138: {  	s10 =	simm.s32 $0x10;
	s11 =	simm.s32 $0x80;
	v0 =	vld.idx.msk [tilespmem:v0+s3+$0x0], $0xffff  }
.LBB2_32:
0x139: {  	p0 =	sne.s32 s11, $0x1FC0;
	v1 =	vld [tilespmem:s10+$0x18700];
	_ =	sdelay $0x3  }
.Ltmp15:
0x13a: {  	(pc) =	sbr.rel @p0 .LBB2_32-.Ltmp15, $2  }
0x13b: {  	[tilespmem:s9+$0x18F00] =	vst v0;
	s9 =	smov.u32 s10;
	_ =	sdelay $0x2  }
0x13c: {  	s10 =	sshra.s32 s11, $0x2;
	s11 =	sadd.s32 $0x40, s11;
	v0 =	vld.idx.msk [tilespmem:v1+s3+$0x0], $0xffff  }
0x13d: {  	v1 =	vld [tilespmem:s10+$0x18700];
	_ =	sdelay $0x6  }
0x13e: {  	[tilespmem:s9+$0x18F00] =	vst v0  }
0x13f: {  	v0 =	vld.idx.msk [tilespmem:v1+s3+$0x0], $0xffff;
	_ =	sdelay $0x2  }
0x140: {  	s7 =	sadd.s32 $0x1, s7  }
0x141: {  	p0 =	sne.s32 s7, s25  }
.Ltmp16:
0x142: {  	[tilespmem:s10+$0x18F00] =	vst v0;
	(pc) =	sbr.rel @p0 .LBB2_1-.Ltmp16, $4  }
0x143: {  	[hbm4b:s23+s31] =	stream.strided.scatter [tilespmem:s5], [sflag:$0x1], $0x800, s0, s31, $0x38;
	[tilespmem:$0x19700] =	vst v63  }
0x144: {  	_ =	swait.ge [sflag:s2], $0x800  }
0x145: {  	[sflag:s2] =	ssyncset.done $0x0  }
0x146: {  	[sflag:s2] =	ssyncadd.s32 $0xFFFFF800  }
0x147: {  	_ =	sfence.sel $0x180000  }
0x148: {  	[bflag:$0x0] =	sbarrier.arrive $0xFFFF  }
0x149: {  	_ =	strace $0x90000047  }
0x14a: {  	s0 =	stileid.u32;
	[bflag:$0x2] =	sbarrier.arrive $0xFFFF  }
0x14b: {  	p0 =	sne.s32 s0, $0x0;
	s0 =	rddreg [dreg:$0x3]  }
0x14c: {  	s0 =	sadd.s32 @!p0 $0x100000, s0  }
0x14d: {  	[sflag:s0] =	ssyncadd.tile.s32 @!p0 $0x1;
	_ =	shalt  }
.Lfunc_end2:
_tile_overlayer_lowered:
.L_overlay_start_2:
0x14e: {  	(tag) =	ssettag $0x2  }
0x14f: {  	s0 =	rddreg [dreg:$0x0];
	s2 =	stileid.u32  }
0x150: {  	s1 =	rddreg [dreg:$0x1];
	p0 =	sne.s32 s2, $0x0  }
0x151: {  	s3 =	rddreg [dreg:$0x2];
	[bflag:$0x3] =	sbarrier.arrive $0xFFFF;
	s2 =	simm.s32 @!p0 $0x1C01  }
0x152: {  	[timem:s3], [sflag:s2] =	dma.local @!p0 [hbm:s0], s1  }
0x153: {  	s0 =	simm.s32 @!p0 $0x1  }
0x154: {  	_ =	swait.ge @!p0 [sflag:s0], s1  }
0x155: {  	s1 =	ssub.s32 @!p0 $0x0, s1;
	[sflag:s0] =	ssyncset.done @!p0 $0x0  }
0x156: {  	[sflag:s0] =	ssyncadd.s32 @!p0 s1  }
0x157: {  	[bflag:$0x3] =	sbarrier.arrive $0xFFFF  }
0x158: {  	_ =	shalt  }

</sc_bundles>
